<compile_context>
chip_gen: v7x
topology: tpu7x:2x2x1
jax: 0.10.2.dev20260603
libtpu: 0.0.44.dev20260713+nightly
codegen_flags: <defaults>
</compile_context>

<pallas_src>
import functools

import jax
import jax.numpy as jnp
from jax import lax
from jax.experimental import pallas as pl
from jax.experimental.pallas import tpu as pltpu
from jax.experimental.pallas import tpu_sc as plsc

_B, _C, _HW = 1024, 10, 4096
_NB = 16
_COLOR = 3
_TCOLOR = 5
_NW = 32
_RPW = _B // _NW
_ROW = _C * _HW


def _counts_body(color_ref, tcolor_ref, tcount_ref, g_ref, cond_ref):
    counts = jnp.sum(g_ref[...], axis=(1, 2, 3))
    cond = counts.astype(jnp.int32) == tcount_ref[0]
    cond_ref[...] = jnp.broadcast_to(
        jnp.where(cond, 1.0, 0.0).astype(jnp.float32)[:, None], (_NB, 128))


def _tc_cond(grid4, color, tcolor, tcount):
    return pl.pallas_call(
        _counts_body,
        grid_spec=pltpu.PrefetchScalarGridSpec(
            num_scalar_prefetch=3,
            grid=(_B // _NB,),
            in_specs=[
                pl.BlockSpec((_NB, 1, 32, 128),
                             lambda i, c_ref, t_ref, n_ref: (i, c_ref[0], 0, 0)),
            ],
            out_specs=pl.BlockSpec((_NB, 128), lambda i, *_: (i, 0)),
        ),
        out_shape=jax.ShapeDtypeStruct((_B, 128), jnp.float32),
    )(color, tcolor, tcount, grid4)


def _sc_body(gin, cond, gout, buf, cbuf, insem, csem, outsem):
    wid = lax.axis_index("s") * 2 + lax.axis_index("c")
    base = wid * _RPW

    def cin(b, r):
        return pltpu.make_async_copy(gin.at[base + r], buf.at[b], insem.at[b])

    def ccond(b, r):
        return pltpu.make_async_copy(cond.at[base + r], cbuf.at[b], csem.at[b])

    def cout(b, r):
        return pltpu.make_async_copy(buf.at[b], gout.at[base + r], outsem.at[b])

    cin(0, 0).start()
    ccond(0, 0).start()

    def step(r2, carry):
        for b in range(2):
            r = r2 * 2 + b

            @pl.when(r + 1 < _RPW)
            def _():
                @pl.when(r >= 1)
                def _():
                    cout(1 - b, r - 1).wait()

                cin(1 - b, r + 1).start()
                ccond(1 - b, r + 1).start()

            cin(b, r).wait()
            ccond(b, r).wait()
            cv = cbuf[b, pl.ds(0, 16)]

            def group(g, c2, b=b, cv=cv):
                v = buf[b, pl.ds(_COLOR * _HW + g * 16, 16)]
                w = buf[b, pl.ds(_TCOLOR * _HW + g * 16, 16)]
                app = (cv > 0.5) & (v > 0.5)
                buf[b, pl.ds(_COLOR * _HW + g * 16, 16)] = jnp.where(app, 0.0, v)
                buf[b, pl.ds(_TCOLOR * _HW + g * 16, 16)] = jnp.where(app, 1.0, w)
                return c2

            lax.fori_loop(0, _HW // 16, group, 0, unroll=8)
            cout(b, r).start()
        return carry

    lax.fori_loop(0, _RPW // 2, step, 0)
    cout(0, _RPW - 2).wait()
    cout(1, _RPW - 1).wait()


def kernel(grid, color, target_color, target_count):
    color = jnp.asarray(color, jnp.int32).reshape(1)
    tcolor = jnp.asarray(target_color, jnp.int32).reshape(1)
    tcount = jnp.asarray(target_count, jnp.int32).reshape(1)
    grid4 = grid.reshape(_B, _C, 32, 128)
    condm = _tc_cond(grid4, color, tcolor, tcount)
    gflat = grid.reshape(_B, _ROW)

    sc = functools.partial(
        pl.kernel,
        out_type=jax.ShapeDtypeStruct((_B, _ROW), jnp.float32),
        mesh=plsc.VectorSubcoreMesh(core_axis_name="c", subcore_axis_name="s"),
        scratch_types=[
            pltpu.VMEM((2, _ROW), jnp.float32),
            pltpu.VMEM((2, 128), jnp.float32),
            pltpu.SemaphoreType.DMA((2,)),
            pltpu.SemaphoreType.DMA((2,)),
            pltpu.SemaphoreType.DMA((2,)),
        ],
    )(_sc_body)
    out = sc(gflat, condm)
    return out.reshape(grid.shape)

# --- scband reference (transcript-rebuilt; emitter-appended) ---
"""Pipeline reference for scband-count-color-operation-42580305773205 (READ-ONLY COPY).

The authoritative reference and input builder live on the scoring server;
editing this copy changes nothing except your own understanding.
"""

import jax, jax.numpy as jnp
import numpy as np


def setup_inputs(seed: int = 0) -> dict:
    key = jax.random.key(seed)
    grid = jax.random.uniform(key, (1024, 10, 64, 64), dtype=jnp.float32)
    return {"grid": grid, "color": 3, "target_color": 5, "target_count": 2048}


def reference(grid, color, target_color, target_count):
    # counts per batch element for the chosen color channel
    counts = jnp.sum(grid[:, color], axis=(1, 2))  # [B]
    # torch does int(count.item()) == target_count; int() truncates toward zero
    cond = counts.astype(jnp.int32) == target_count  # [B] bool
    mask = grid[:, color] > 0.5  # [B, H, W]
    apply = jnp.logical_and(cond[:, None, None], mask)  # [B, H, W]
    result = grid
    # zero out the counted color where mask applies (only for matching batch rows)
    result = result.at[:, color].set(jnp.where(apply, 0.0, result[:, color]))
    # set target_color channel to 1 at those positions (static bounds check like torch)
    in_bounds = jnp.logical_and(target_color >= 0, target_color < grid.shape[1])
    apply_target = jnp.logical_and(apply, in_bounds)
    result = result.at[:, target_color].set(jnp.where(apply_target, 1.0, result[:, target_color]))
    return result

if __name__ == "__main__":
    import jax
    _d = setup_inputs()
    print(jax.jit(kernel)(*tuple(_d.values())))

</pallas_src>

<mosaic_0001>
#map = affine_map<(d0, d1) -> (0, 0)>
module attributes {stable_mosaic.version = 14 : i64} {
  func.func @_sc_body(%arg0: i32, %arg1: i32, %arg2: memref<1024x40960xf32, #tpu.memory_space<hbm>>, %arg3: memref<1024x128xf32, #tpu.memory_space<hbm>>, %arg4: memref<1024x40960xf32, #tpu.memory_space<hbm>>, %arg5: memref<2x40960xf32, #tpu.memory_space<vmem>>, %arg6: memref<2x128xf32, #tpu.memory_space<vmem>>, %arg7: memref<2x!tpu.dma_semaphore, #tpu.memory_space<semaphore_mem>>, %arg8: memref<2x!tpu.dma_semaphore, #tpu.memory_space<semaphore_mem>>, %arg9: memref<2x!tpu.dma_semaphore, #tpu.memory_space<semaphore_mem>>) attributes {dimension_semantics = [#tpu.dimension_semantics<core_parallel>, #tpu.dimension_semantics<subcore_parallel>], iteration_bounds = array<i64: 2, 16>, scalar_prefetch = 0 : i64, scratch_operands = 5 : i64, tpu.core_type = #tpu.core_type<sc_vector_subcore>, window_params = [{transform_indices = #map}, {transform_indices = #map}, {transform_indices = #map}]} {
    %mul3A = arith.constant 2 : i32
    %mul3A_0 = arith.muli %arg1, %mul3A : i32
    %add3A = arith.addi %mul3A_0, %arg0 : i32
    %mul3A_1 = arith.constant 32 : i32
    %mul3A_2 = arith.muli %add3A, %mul3A_1 : i32
    %add3A_3 = arith.constant 0 : i32
    %add3A_4 = arith.addi %mul3A_2, %add3A_3 : i32
    %dma_start3A = arith.constant 0 : i32
    %dma_start3A_5 = arith.constant 0 : i32
    %dma_start3A_6 = arith.constant 0 : i32
    %dma_start3A_7 = tpu.memref_slice %arg5[%dma_start3A, %dma_start3A_6] : memref<2x40960xf32, #tpu.memory_space<vmem>> -> memref<1x40960xf32, #tpu.memory_space<vmem>>
    %dma_start3A_8 = tpu.memref_squeeze %dma_start3A_7 : memref<1x40960xf32, #tpu.memory_space<vmem>> -> memref<40960xf32, #tpu.memory_space<vmem>>
    %dma_start3A_9 = arith.constant 0 : i32
    %dma_start3A_10 = tpu.memref_slice %arg2[%add3A_4, %dma_start3A_9] : memref<1024x40960xf32, #tpu.memory_space<hbm>> -> memref<1x40960xf32, #tpu.memory_space<hbm>>
    %dma_start3A_11 = tpu.memref_squeeze %dma_start3A_10 : memref<1x40960xf32, #tpu.memory_space<hbm>> -> memref<40960xf32, #tpu.memory_space<hbm>>
    %dma_start3A_12 = tpu.memref_slice %arg7[%dma_start3A_5] : memref<2x!tpu.dma_semaphore, #tpu.memory_space<semaphore_mem>> -> memref<1x!tpu.dma_semaphore, #tpu.memory_space<semaphore_mem>>
    %dma_start3A_13 = tpu.memref_squeeze %dma_start3A_12 : memref<1x!tpu.dma_semaphore, #tpu.memory_space<semaphore_mem>> -> memref<!tpu.dma_semaphore, #tpu.memory_space<semaphore_mem>>
    %dma_start3A_14 = arith.constant 0 : i32
    %dma_start3A_15 = tpu.memref_slice %arg5[%dma_start3A, %dma_start3A_14] : memref<2x40960xf32, #tpu.memory_space<vmem>> -> memref<1x40960xf32, #tpu.memory_space<vmem>>
    %dma_start3A_16 = tpu.memref_squeeze %dma_start3A_15 : memref<1x40960xf32, #tpu.memory_space<vmem>> -> memref<40960xf32, #tpu.memory_space<vmem>>
    %dma_start3A_17 = arith.constant 0 : i32
    %dma_start3A_18 = tpu.memref_slice %arg2[%add3A_4, %dma_start3A_17] : memref<1024x40960xf32, #tpu.memory_space<hbm>> -> memref<1x40960xf32, #tpu.memory_space<hbm>>
    %dma_start3A_19 = tpu.memref_squeeze %dma_start3A_18 : memref<1x40960xf32, #tpu.memory_space<hbm>> -> memref<40960xf32, #tpu.memory_space<hbm>>
    tpu.enqueue_dma source(%dma_start3A_19 : memref<40960xf32, #tpu.memory_space<hbm>>) target(%dma_start3A_16 : memref<40960xf32, #tpu.memory_space<vmem>>) target_semaphore(%dma_start3A_13 : memref<!tpu.dma_semaphore, #tpu.memory_space<semaphore_mem>>)
    %add3A_20 = arith.constant 0 : i32
    %add3A_21 = arith.addi %mul3A_2, %add3A_20 : i32
    %dma_start3A_22 = arith.constant 0 : i32
    %dma_start3A_23 = arith.constant 0 : i32
    %dma_start3A_24 = arith.constant 0 : i32
    %dma_start3A_25 = tpu.memref_slice %arg6[%dma_start3A_22, %dma_start3A_24] : memref<2x128xf32, #tpu.memory_space<vmem>> -> memref<1x128xf32, #tpu.memory_space<vmem>>
    %dma_start3A_26 = tpu.memref_squeeze %dma_start3A_25 : memref<1x128xf32, #tpu.memory_space<vmem>> -> memref<128xf32, #tpu.memory_space<vmem>>
    %dma_start3A_27 = arith.constant 0 : i32
    %dma_start3A_28 = tpu.memref_slice %arg3[%add3A_21, %dma_start3A_27] : memref<1024x128xf32, #tpu.memory_space<hbm>> -> memref<1x128xf32, #tpu.memory_space<hbm>>
    %dma_start3A_29 = tpu.memref_squeeze %dma_start3A_28 : memref<1x128xf32, #tpu.memory_space<hbm>> -> memref<128xf32, #tpu.memory_space<hbm>>
    %dma_start3A_30 = tpu.memref_slice %arg8[%dma_start3A_23] : memref<2x!tpu.dma_semaphore, #tpu.memory_space<semaphore_mem>> -> memref<1x!tpu.dma_semaphore, #tpu.memory_space<semaphore_mem>>
    %dma_start3A_31 = tpu.memref_squeeze %dma_start3A_30 : memref<1x!tpu.dma_semaphore, #tpu.memory_space<semaphore_mem>> -> memref<!tpu.dma_semaphore, #tpu.memory_space<semaphore_mem>>
    %dma_start3A_32 = arith.constant 0 : i32
    %dma_start3A_33 = tpu.memref_slice %arg6[%dma_start3A_22, %dma_start3A_32] : memref<2x128xf32, #tpu.memory_space<vmem>> -> memref<1x128xf32, #tpu.memory_space<vmem>>
    %dma_start3A_34 = tpu.memref_squeeze %dma_start3A_33 : memref<1x128xf32, #tpu.memory_space<vmem>> -> memref<128xf32, #tpu.memory_space<vmem>>
    %dma_start3A_35 = arith.constant 0 : i32
    %dma_start3A_36 = tpu.memref_slice %arg3[%add3A_21, %dma_start3A_35] : memref<1024x128xf32, #tpu.memory_space<hbm>> -> memref<1x128xf32, #tpu.memory_space<hbm>>
    %dma_start3A_37 = tpu.memref_squeeze %dma_start3A_36 : memref<1x128xf32, #tpu.memory_space<hbm>> -> memref<128xf32, #tpu.memory_space<hbm>>
    tpu.enqueue_dma source(%dma_start3A_37 : memref<128xf32, #tpu.memory_space<hbm>>) target(%dma_start3A_34 : memref<128xf32, #tpu.memory_space<vmem>>) target_semaphore(%dma_start3A_31 : memref<!tpu.dma_semaphore, #tpu.memory_space<semaphore_mem>>)
    %scan3A = arith.constant 0 : i32
    %scan3A_38 = arith.constant 0 : i32
    %scan3A_39 = arith.constant 16 : i32
    %scan3A_40 = arith.addi %scan3A_38, %scan3A_39 : i32
    %scan3A_41 = arith.constant 1 : i32
    scf.for %scan3A_78 = %scan3A_38 to %scan3A_40 step %scan3A_41  : i32 {
      %mul3A_79 = arith.constant 2 : i32
      %mul3A_80 = arith.muli %scan3A_78, %mul3A_79 : i32
      %add3A_81 = arith.constant 0 : i32
      %add3A_82 = arith.addi %mul3A_80, %add3A_81 : i32
      %add3A_83 = arith.constant 1 : i32
      %add3A_84 = arith.addi %add3A_82, %add3A_83 : i32
      %lt3A = arith.constant 32 : i32
      %lt3A_85 = arith.cmpi slt, %add3A_84, %lt3A : i32
      %convert_element_type3A = arith.extui %lt3A_85 : i1 to i32
      %cond3A = arith.constant 0 : i32
      %cond3A_86 = arith.cmpi ne, %convert_element_type3A, %cond3A : i32
      scf.if %cond3A_86 {
        %ge3A = arith.constant 1 : i32
        %ge3A_221 = arith.cmpi sge, %add3A_82, %ge3A : i32
        %convert_element_type3A_222 = arith.extui %ge3A_221 : i1 to i32
        %cond3A_223 = arith.constant 0 : i32
        %cond3A_224 = arith.cmpi ne, %convert_element_type3A_222, %cond3A_223 : i32
        scf.if %cond3A_224 {
          %sub3A = arith.constant 1 : i32
          %sub3A_263 = arith.subi %add3A_82, %sub3A : i32
          %add3A_264 = arith.addi %mul3A_2, %sub3A_263 : i32
          %dma_wait3A_265 = arith.constant 1 : i32
          %dma_wait3A_266 = arith.constant 1 : i32
          %dma_wait3A_267 = arith.constant 0 : i32
          %dma_wait3A_268 = tpu.memref_slice %arg5[%dma_wait3A_265, %dma_wait3A_267] : memref<2x40960xf32, #tpu.memory_space<vmem>> -> memref<1x40960xf32, #tpu.memory_space<vmem>>
          %dma_wait3A_269 = tpu.memref_squeeze %dma_wait3A_268 : memref<1x40960xf32, #tpu.memory_space<vmem>> -> memref<40960xf32, #tpu.memory_space<vmem>>
          %dma_wait3A_270 = arith.constant 0 : i32
          %dma_wait3A_271 = tpu.memref_slice %arg4[%add3A_264, %dma_wait3A_270] : memref<1024x40960xf32, #tpu.memory_space<hbm>> -> memref<1x40960xf32, #tpu.memory_space<hbm>>
          %dma_wait3A_272 = tpu.memref_squeeze %dma_wait3A_271 : memref<1x40960xf32, #tpu.memory_space<hbm>> -> memref<40960xf32, #tpu.memory_space<hbm>>
          %dma_wait3A_273 = tpu.memref_slice %arg9[%dma_wait3A_266] : memref<2x!tpu.dma_semaphore, #tpu.memory_space<semaphore_mem>> -> memref<1x!tpu.dma_semaphore, #tpu.memory_space<semaphore_mem>>
          %dma_wait3A_274 = tpu.memref_squeeze %dma_wait3A_273 : memref<1x!tpu.dma_semaphore, #tpu.memory_space<semaphore_mem>> -> memref<!tpu.dma_semaphore, #tpu.memory_space<semaphore_mem>>
          %dma_wait3A_275 = arith.constant 0 : i32
          %dma_wait3A_276 = tpu.memref_slice %arg4[%add3A_264, %dma_wait3A_275] : memref<1024x40960xf32, #tpu.memory_space<hbm>> -> memref<1x40960xf32, #tpu.memory_space<hbm>>
          %dma_wait3A_277 = tpu.memref_squeeze %dma_wait3A_276 : memref<1x40960xf32, #tpu.memory_space<hbm>> -> memref<40960xf32, #tpu.memory_space<hbm>>
          %dma_wait3A_278 = arith.constant 0 : i32
          %dma_wait3A_279 = tpu.memref_slice %arg5[%dma_wait3A_265, %dma_wait3A_278] : memref<2x40960xf32, #tpu.memory_space<vmem>> -> memref<1x40960xf32, #tpu.memory_space<vmem>>
          %dma_wait3A_280 = tpu.memref_squeeze %dma_wait3A_279 : memref<1x40960xf32, #tpu.memory_space<vmem>> -> memref<40960xf32, #tpu.memory_space<vmem>>
          tpu.wait_dma2 semaphore(%dma_wait3A_274 : memref<!tpu.dma_semaphore, #tpu.memory_space<semaphore_mem>>) src(%dma_wait3A_280 : memref<40960xf32, #tpu.memory_space<vmem>>) dst(%dma_wait3A_277 : memref<40960xf32, #tpu.memory_space<hbm>>)
        } else {
        }
        %add3A_225 = arith.constant 1 : i32
        %add3A_226 = arith.addi %add3A_82, %add3A_225 : i32
        %add3A_227 = arith.addi %mul3A_2, %add3A_226 : i32
        %dma_start3A_228 = arith.constant 1 : i32
        %dma_start3A_229 = arith.constant 1 : i32
        %dma_start3A_230 = arith.constant 0 : i32
        %dma_start3A_231 = tpu.memref_slice %arg5[%dma_start3A_228, %dma_start3A_230] : memref<2x40960xf32, #tpu.memory_space<vmem>> -> memref<1x40960xf32, #tpu.memory_space<vmem>>
        %dma_start3A_232 = tpu.memref_squeeze %dma_start3A_231 : memref<1x40960xf32, #tpu.memory_space<vmem>> -> memref<40960xf32, #tpu.memory_space<vmem>>
        %dma_start3A_233 = arith.constant 0 : i32
        %dma_start3A_234 = tpu.memref_slice %arg2[%add3A_227, %dma_start3A_233] : memref<1024x40960xf32, #tpu.memory_space<hbm>> -> memref<1x40960xf32, #tpu.memory_space<hbm>>
        %dma_start3A_235 = tpu.memref_squeeze %dma_start3A_234 : memref<1x40960xf32, #tpu.memory_space<hbm>> -> memref<40960xf32, #tpu.memory_space<hbm>>
        %dma_start3A_236 = tpu.memref_slice %arg7[%dma_start3A_229] : memref<2x!tpu.dma_semaphore, #tpu.memory_space<semaphore_mem>> -> memref<1x!tpu.dma_semaphore, #tpu.memory_space<semaphore_mem>>
        %dma_start3A_237 = tpu.memref_squeeze %dma_start3A_236 : memref<1x!tpu.dma_semaphore, #tpu.memory_space<semaphore_mem>> -> memref<!tpu.dma_semaphore, #tpu.memory_space<semaphore_mem>>
        %dma_start3A_238 = arith.constant 0 : i32
        %dma_start3A_239 = tpu.memref_slice %arg5[%dma_start3A_228, %dma_start3A_238] : memref<2x40960xf32, #tpu.memory_space<vmem>> -> memref<1x40960xf32, #tpu.memory_space<vmem>>
        %dma_start3A_240 = tpu.memref_squeeze %dma_start3A_239 : memref<1x40960xf32, #tpu.memory_space<vmem>> -> memref<40960xf32, #tpu.memory_space<vmem>>
        %dma_start3A_241 = arith.constant 0 : i32
        %dma_start3A_242 = tpu.memref_slice %arg2[%add3A_227, %dma_start3A_241] : memref<1024x40960xf32, #tpu.memory_space<hbm>> -> memref<1x40960xf32, #tpu.memory_space<hbm>>
        %dma_start3A_243 = tpu.memref_squeeze %dma_start3A_242 : memref<1x40960xf32, #tpu.memory_space<hbm>> -> memref<40960xf32, #tpu.memory_space<hbm>>
        tpu.enqueue_dma source(%dma_start3A_243 : memref<40960xf32, #tpu.memory_space<hbm>>) target(%dma_start3A_240 : memref<40960xf32, #tpu.memory_space<vmem>>) target_semaphore(%dma_start3A_237 : memref<!tpu.dma_semaphore, #tpu.memory_space<semaphore_mem>>)
        %add3A_244 = arith.constant 1 : i32
        %add3A_245 = arith.addi %add3A_82, %add3A_244 : i32
        %add3A_246 = arith.addi %mul3A_2, %add3A_245 : i32
        %dma_start3A_247 = arith.constant 1 : i32
        %dma_start3A_248 = arith.constant 1 : i32
        %dma_start3A_249 = arith.constant 0 : i32
        %dma_start3A_250 = tpu.memref_slice %arg6[%dma_start3A_247, %dma_start3A_249] : memref<2x128xf32, #tpu.memory_space<vmem>> -> memref<1x128xf32, #tpu.memory_space<vmem>>
        %dma_start3A_251 = tpu.memref_squeeze %dma_start3A_250 : memref<1x128xf32, #tpu.memory_space<vmem>> -> memref<128xf32, #tpu.memory_space<vmem>>
        %dma_start3A_252 = arith.constant 0 : i32
        %dma_start3A_253 = tpu.memref_slice %arg3[%add3A_246, %dma_start3A_252] : memref<1024x128xf32, #tpu.memory_space<hbm>> -> memref<1x128xf32, #tpu.memory_space<hbm>>
        %dma_start3A_254 = tpu.memref_squeeze %dma_start3A_253 : memref<1x128xf32, #tpu.memory_space<hbm>> -> memref<128xf32, #tpu.memory_space<hbm>>
        %dma_start3A_255 = tpu.memref_slice %arg8[%dma_start3A_248] : memref<2x!tpu.dma_semaphore, #tpu.memory_space<semaphore_mem>> -> memref<1x!tpu.dma_semaphore, #tpu.memory_space<semaphore_mem>>
        %dma_start3A_256 = tpu.memref_squeeze %dma_start3A_255 : memref<1x!tpu.dma_semaphore, #tpu.memory_space<semaphore_mem>> -> memref<!tpu.dma_semaphore, #tpu.memory_space<semaphore_mem>>
        %dma_start3A_257 = arith.constant 0 : i32
        %dma_start3A_258 = tpu.memref_slice %arg6[%dma_start3A_247, %dma_start3A_257] : memref<2x128xf32, #tpu.memory_space<vmem>> -> memref<1x128xf32, #tpu.memory_space<vmem>>
        %dma_start3A_259 = tpu.memref_squeeze %dma_start3A_258 : memref<1x128xf32, #tpu.memory_space<vmem>> -> memref<128xf32, #tpu.memory_space<vmem>>
        %dma_start3A_260 = arith.constant 0 : i32
        %dma_start3A_261 = tpu.memref_slice %arg3[%add3A_246, %dma_start3A_260] : memref<1024x128xf32, #tpu.memory_space<hbm>> -> memref<1x128xf32, #tpu.memory_space<hbm>>
        %dma_start3A_262 = tpu.memref_squeeze %dma_start3A_261 : memref<1x128xf32, #tpu.memory_space<hbm>> -> memref<128xf32, #tpu.memory_space<hbm>>
        tpu.enqueue_dma source(%dma_start3A_262 : memref<128xf32, #tpu.memory_space<hbm>>) target(%dma_start3A_259 : memref<128xf32, #tpu.memory_space<vmem>>) target_semaphore(%dma_start3A_256 : memref<!tpu.dma_semaphore, #tpu.memory_space<semaphore_mem>>)
      } else {
      }
      %add3A_87 = arith.addi %mul3A_2, %add3A_82 : i32
      %dma_wait3A_88 = arith.constant 0 : i32
      %dma_wait3A_89 = arith.constant 0 : i32
      %dma_wait3A_90 = arith.constant 0 : i32
      %dma_wait3A_91 = tpu.memref_slice %arg5[%dma_wait3A_88, %dma_wait3A_90] : memref<2x40960xf32, #tpu.memory_space<vmem>> -> memref<1x40960xf32, #tpu.memory_space<vmem>>
      %dma_wait3A_92 = tpu.memref_squeeze %dma_wait3A_91 : memref<1x40960xf32, #tpu.memory_space<vmem>> -> memref<40960xf32, #tpu.memory_space<vmem>>
      %dma_wait3A_93 = arith.constant 0 : i32
      %dma_wait3A_94 = tpu.memref_slice %arg2[%add3A_87, %dma_wait3A_93] : memref<1024x40960xf32, #tpu.memory_space<hbm>> -> memref<1x40960xf32, #tpu.memory_space<hbm>>
      %dma_wait3A_95 = tpu.memref_squeeze %dma_wait3A_94 : memref<1x40960xf32, #tpu.memory_space<hbm>> -> memref<40960xf32, #tpu.memory_space<hbm>>
      %dma_wait3A_96 = tpu.memref_slice %arg7[%dma_wait3A_89] : memref<2x!tpu.dma_semaphore, #tpu.memory_space<semaphore_mem>> -> memref<1x!tpu.dma_semaphore, #tpu.memory_space<semaphore_mem>>
      %dma_wait3A_97 = tpu.memref_squeeze %dma_wait3A_96 : memref<1x!tpu.dma_semaphore, #tpu.memory_space<semaphore_mem>> -> memref<!tpu.dma_semaphore, #tpu.memory_space<semaphore_mem>>
      %dma_wait3A_98 = arith.constant 0 : i32
      %dma_wait3A_99 = tpu.memref_slice %arg5[%dma_wait3A_88, %dma_wait3A_98] : memref<2x40960xf32, #tpu.memory_space<vmem>> -> memref<1x40960xf32, #tpu.memory_space<vmem>>
      %dma_wait3A_100 = tpu.memref_squeeze %dma_wait3A_99 : memref<1x40960xf32, #tpu.memory_space<vmem>> -> memref<40960xf32, #tpu.memory_space<vmem>>
      %dma_wait3A_101 = arith.constant 0 : i32
      %dma_wait3A_102 = tpu.memref_slice %arg2[%add3A_87, %dma_wait3A_101] : memref<1024x40960xf32, #tpu.memory_space<hbm>> -> memref<1x40960xf32, #tpu.memory_space<hbm>>
      %dma_wait3A_103 = tpu.memref_squeeze %dma_wait3A_102 : memref<1x40960xf32, #tpu.memory_space<hbm>> -> memref<40960xf32, #tpu.memory_space<hbm>>
      tpu.wait_dma2 semaphore(%dma_wait3A_97 : memref<!tpu.dma_semaphore, #tpu.memory_space<semaphore_mem>>) src(%dma_wait3A_103 : memref<40960xf32, #tpu.memory_space<hbm>>) dst(%dma_wait3A_100 : memref<40960xf32, #tpu.memory_space<vmem>>)
      %add3A_104 = arith.addi %mul3A_2, %add3A_82 : i32
      %dma_wait3A_105 = arith.constant 0 : i32
      %dma_wait3A_106 = arith.constant 0 : i32
      %dma_wait3A_107 = arith.constant 0 : i32
      %dma_wait3A_108 = tpu.memref_slice %arg6[%dma_wait3A_105, %dma_wait3A_107] : memref<2x128xf32, #tpu.memory_space<vmem>> -> memref<1x128xf32, #tpu.memory_space<vmem>>
      %dma_wait3A_109 = tpu.memref_squeeze %dma_wait3A_108 : memref<1x128xf32, #tpu.memory_space<vmem>> -> memref<128xf32, #tpu.memory_space<vmem>>
      %dma_wait3A_110 = arith.constant 0 : i32
      %dma_wait3A_111 = tpu.memref_slice %arg3[%add3A_104, %dma_wait3A_110] : memref<1024x128xf32, #tpu.memory_space<hbm>> -> memref<1x128xf32, #tpu.memory_space<hbm>>
      %dma_wait3A_112 = tpu.memref_squeeze %dma_wait3A_111 : memref<1x128xf32, #tpu.memory_space<hbm>> -> memref<128xf32, #tpu.memory_space<hbm>>
      %dma_wait3A_113 = tpu.memref_slice %arg8[%dma_wait3A_106] : memref<2x!tpu.dma_semaphore, #tpu.memory_space<semaphore_mem>> -> memref<1x!tpu.dma_semaphore, #tpu.memory_space<semaphore_mem>>
      %dma_wait3A_114 = tpu.memref_squeeze %dma_wait3A_113 : memref<1x!tpu.dma_semaphore, #tpu.memory_space<semaphore_mem>> -> memref<!tpu.dma_semaphore, #tpu.memory_space<semaphore_mem>>
      %dma_wait3A_115 = arith.constant 0 : i32
      %dma_wait3A_116 = tpu.memref_slice %arg6[%dma_wait3A_105, %dma_wait3A_115] : memref<2x128xf32, #tpu.memory_space<vmem>> -> memref<1x128xf32, #tpu.memory_space<vmem>>
      %dma_wait3A_117 = tpu.memref_squeeze %dma_wait3A_116 : memref<1x128xf32, #tpu.memory_space<vmem>> -> memref<128xf32, #tpu.memory_space<vmem>>
      %dma_wait3A_118 = arith.constant 0 : i32
      %dma_wait3A_119 = tpu.memref_slice %arg3[%add3A_104, %dma_wait3A_118] : memref<1024x128xf32, #tpu.memory_space<hbm>> -> memref<1x128xf32, #tpu.memory_space<hbm>>
      %dma_wait3A_120 = tpu.memref_squeeze %dma_wait3A_119 : memref<1x128xf32, #tpu.memory_space<hbm>> -> memref<128xf32, #tpu.memory_space<hbm>>
      tpu.wait_dma2 semaphore(%dma_wait3A_114 : memref<!tpu.dma_semaphore, #tpu.memory_space<semaphore_mem>>) src(%dma_wait3A_120 : memref<128xf32, #tpu.memory_space<hbm>>) dst(%dma_wait3A_117 : memref<128xf32, #tpu.memory_space<vmem>>)
      %get3A = arith.constant 0 : i32
      %get3A_121 = arith.index_cast %get3A : i32 to index
      %get3A_122 = arith.constant 0 : index
      %get3A_123 = tpu.vector_load %arg6[%get3A_121, %get3A_122] {strides = array<i32>} : memref<2x128xf32, #tpu.memory_space<vmem>>, vector<1x16xf32>,
      %get3A_124 = vector.shape_cast %get3A_123 : vector<1x16xf32> to vector<16xf32>
      %scan3A_125 = arith.constant 0 : i32
      %scan3A_126 = arith.constant 0 : i32
      %scan3A_127 = arith.constant 256 : i32
      %scan3A_128 = arith.addi %scan3A_126, %scan3A_127 : i32
      %scan3A_129 = arith.constant 8 : i32
      scf.for %scan3A_221 = %scan3A_126 to %scan3A_128 step %scan3A_129  : i32 {
        %mul3A_222 = arith.constant 16 : i32
        %mul3A_223 = arith.muli %scan3A_221, %mul3A_222 : i32
        %add3A_224 = arith.constant 12288 : i32
        %add3A_225 = arith.addi %add3A_224, %mul3A_223 : i32
        %get3A_226 = arith.constant 0 : i32
        %get3A_227 = arith.index_cast %get3A_226 : i32 to index
        %get3A_228 = arith.index_cast %add3A_225 : i32 to index
        %get3A_229 = tpu.vector_load %arg5[%get3A_227, %get3A_228] {strides = array<i32>} : memref<2x40960xf32, #tpu.memory_space<vmem>>, vector<1x16xf32>,
        %get3A_230 = vector.shape_cast %get3A_229 : vector<1x16xf32> to vector<16xf32>
        %mul3A_231 = arith.constant 16 : i32
        %mul3A_232 = arith.muli %scan3A_221, %mul3A_231 : i32
        %add3A_233 = arith.constant 20480 : i32
        %add3A_234 = arith.addi %add3A_233, %mul3A_232 : i32
        %get3A_235 = arith.constant 0 : i32
        %get3A_236 = arith.index_cast %get3A_235 : i32 to index
        %get3A_237 = arith.index_cast %add3A_234 : i32 to index
        %get3A_238 = tpu.vector_load %arg5[%get3A_236, %get3A_237] {strides = array<i32>} : memref<2x40960xf32, #tpu.memory_space<vmem>>, vector<1x16xf32>,
        %get3A_239 = vector.shape_cast %get3A_238 : vector<1x16xf32> to vector<16xf32>
        %gt3A = arith.constant 5.000000e-01 : f32
        %gt3A_240 = vector.broadcast %gt3A : f32 to vector<16xf32>
        %gt3A_241 = arith.cmpf ogt, %get3A_124, %gt3A_240 : vector<16xf32>
        %gt3A_242 = arith.constant 5.000000e-01 : f32
        %gt3A_243 = vector.broadcast %gt3A_242 : f32 to vector<16xf32>
        %gt3A_244 = arith.cmpf ogt, %get3A_230, %gt3A_243 : vector<16xf32>
        %and3A = arith.andi %gt3A_241, %gt3A_244 : vector<16xi1>
        %jit3A = arith.constant 0.000000e+00 : f32
        %broadcast_in_dim3A = vector.broadcast %jit3A : f32 to vector<16xf32>
        %select_n3A = arith.select %and3A, %broadcast_in_dim3A, %get3A_230 : vector<16xi1>, vector<16xf32>
        %mul3A_245 = arith.constant 16 : i32
        %mul3A_246 = arith.muli %scan3A_221, %mul3A_245 : i32
        %add3A_247 = arith.constant 12288 : i32
        %add3A_248 = arith.addi %add3A_247, %mul3A_246 : i32
        %swap3A = arith.constant 0 : i32
        %swap3A_249 = arith.index_cast %swap3A : i32 to index
        %swap3A_250 = arith.index_cast %add3A_248 : i32 to index
        %swap3A_251 = tpu.vector_load %arg5[%swap3A_249, %swap3A_250] {strides = array<i32>} : memref<2x40960xf32, #tpu.memory_space<vmem>>, vector<1x16xf32>,
        %swap3A_252 = vector.shape_cast %swap3A_251 : vector<1x16xf32> to vector<16xf32>
        %swap3A_253 = vector.shape_cast %select_n3A : vector<16xf32> to vector<1x16xf32>
        tpu.vector_store %arg5[%swap3A_249, %swap3A_250], %swap3A_253 {strides = array<i32>} : memref<2x40960xf32, #tpu.memory_space<vmem>>, vector<1x16xf32>,
        %jit3A_254 = arith.constant 1.000000e+00 : f32
        %broadcast_in_dim3A_255 = vector.broadcast %jit3A_254 : f32 to vector<16xf32>
        %select_n3A_256 = arith.select %and3A, %broadcast_in_dim3A_255, %get3A_239 : vector<16xi1>, vector<16xf32>
        %mul3A_257 = arith.constant 16 : i32
        %mul3A_258 = arith.muli %scan3A_221, %mul3A_257 : i32
        %add3A_259 = arith.constant 20480 : i32
        %add3A_260 = arith.addi %add3A_259, %mul3A_258 : i32
        %swap3A_261 = arith.constant 0 : i32
        %swap3A_262 = arith.index_cast %swap3A_261 : i32 to index
        %swap3A_263 = arith.index_cast %add3A_260 : i32 to index
        %swap3A_264 = tpu.vector_load %arg5[%swap3A_262, %swap3A_263] {strides = array<i32>} : memref<2x40960xf32, #tpu.memory_space<vmem>>, vector<1x16xf32>,
        %swap3A_265 = vector.shape_cast %swap3A_264 : vector<1x16xf32> to vector<16xf32>
        %swap3A_266 = vector.shape_cast %select_n3A_256 : vector<16xf32> to vector<1x16xf32>
        tpu.vector_store %arg5[%swap3A_262, %swap3A_263], %swap3A_266 {strides = array<i32>} : memref<2x40960xf32, #tpu.memory_space<vmem>>, vector<1x16xf32>,
        %scan3A_267 = arith.constant 1 : i32
        %scan3A_268 = arith.addi %scan3A_221, %scan3A_267 : i32
        %mul3A_269 = arith.constant 16 : i32
        %mul3A_270 = arith.muli %scan3A_268, %mul3A_269 : i32
        %add3A_271 = arith.constant 12288 : i32
        %add3A_272 = arith.addi %add3A_271, %mul3A_270 : i32
        %get3A_273 = arith.constant 0 : i32
        %get3A_274 = arith.index_cast %get3A_273 : i32 to index
        %get3A_275 = arith.index_cast %add3A_272 : i32 to index
        %get3A_276 = tpu.vector_load %arg5[%get3A_274, %get3A_275] {strides = array<i32>} : memref<2x40960xf32, #tpu.memory_space<vmem>>, vector<1x16xf32>,
        %get3A_277 = vector.shape_cast %get3A_276 : vector<1x16xf32> to vector<16xf32>
        %mul3A_278 = arith.constant 16 : i32
        %mul3A_279 = arith.muli %scan3A_268, %mul3A_278 : i32
        %add3A_280 = arith.constant 20480 : i32
        %add3A_281 = arith.addi %add3A_280, %mul3A_279 : i32
        %get3A_282 = arith.constant 0 : i32
        %get3A_283 = arith.index_cast %get3A_282 : i32 to index
        %get3A_284 = arith.index_cast %add3A_281 : i32 to index
        %get3A_285 = tpu.vector_load %arg5[%get3A_283, %get3A_284] {strides = array<i32>} : memref<2x40960xf32, #tpu.memory_space<vmem>>, vector<1x16xf32>,
        %get3A_286 = vector.shape_cast %get3A_285 : vector<1x16xf32> to vector<16xf32>
        %gt3A_287 = arith.constant 5.000000e-01 : f32
        %gt3A_288 = vector.broadcast %gt3A_287 : f32 to vector<16xf32>
        %gt3A_289 = arith.cmpf ogt, %get3A_124, %gt3A_288 : vector<16xf32>
        %gt3A_290 = arith.constant 5.000000e-01 : f32
        %gt3A_291 = vector.broadcast %gt3A_290 : f32 to vector<16xf32>
        %gt3A_292 = arith.cmpf ogt, %get3A_277, %gt3A_291 : vector<16xf32>
        %and3A_293 = arith.andi %gt3A_289, %gt3A_292 : vector<16xi1>
        %jit3A_294 = arith.constant 0.000000e+00 : f32
        %broadcast_in_dim3A_295 = vector.broadcast %jit3A_294 : f32 to vector<16xf32>
        %select_n3A_296 = arith.select %and3A_293, %broadcast_in_dim3A_295, %get3A_277 : vector<16xi1>, vector<16xf32>
        %mul3A_297 = arith.constant 16 : i32
        %mul3A_298 = arith.muli %scan3A_268, %mul3A_297 : i32
        %add3A_299 = arith.constant 12288 : i32
        %add3A_300 = arith.addi %add3A_299, %mul3A_298 : i32
        %swap3A_301 = arith.constant 0 : i32
        %swap3A_302 = arith.index_cast %swap3A_301 : i32 to index
        %swap3A_303 = arith.index_cast %add3A_300 : i32 to index
        %swap3A_304 = tpu.vector_load %arg5[%swap3A_302, %swap3A_303] {strides = array<i32>} : memref<2x40960xf32, #tpu.memory_space<vmem>>, vector<1x16xf32>,
        %swap3A_305 = vector.shape_cast %swap3A_304 : vector<1x16xf32> to vector<16xf32>
        %swap3A_306 = vector.shape_cast %select_n3A_296 : vector<16xf32> to vector<1x16xf32>
        tpu.vector_store %arg5[%swap3A_302, %swap3A_303], %swap3A_306 {strides = array<i32>} : memref<2x40960xf32, #tpu.memory_space<vmem>>, vector<1x16xf32>,
        %jit3A_307 = arith.constant 1.000000e+00 : f32
        %broadcast_in_dim3A_308 = vector.broadcast %jit3A_307 : f32 to vector<16xf32>
        %select_n3A_309 = arith.select %and3A_293, %broadcast_in_dim3A_308, %get3A_286 : vector<16xi1>, vector<16xf32>
        %mul3A_310 = arith.constant 16 : i32
        %mul3A_311 = arith.muli %scan3A_268, %mul3A_310 : i32
        %add3A_312 = arith.constant 20480 : i32
        %add3A_313 = arith.addi %add3A_312, %mul3A_311 : i32
        %swap3A_314 = arith.constant 0 : i32
        %swap3A_315 = arith.index_cast %swap3A_314 : i32 to index
        %swap3A_316 = arith.index_cast %add3A_313 : i32 to index
        %swap3A_317 = tpu.vector_load %arg5[%swap3A_315, %swap3A_316] {strides = array<i32>} : memref<2x40960xf32, #tpu.memory_space<vmem>>, vector<1x16xf32>,
        %swap3A_318 = vector.shape_cast %swap3A_317 : vector<1x16xf32> to vector<16xf32>
        %swap3A_319 = vector.shape_cast %select_n3A_309 : vector<16xf32> to vector<1x16xf32>
        tpu.vector_store %arg5[%swap3A_315, %swap3A_316], %swap3A_319 {strides = array<i32>} : memref<2x40960xf32, #tpu.memory_space<vmem>>, vector<1x16xf32>,
        %scan3A_320 = arith.constant 2 : i32
        %scan3A_321 = arith.addi %scan3A_221, %scan3A_320 : i32
        %mul3A_322 = arith.constant 16 : i32
        %mul3A_323 = arith.muli %scan3A_321, %mul3A_322 : i32
        %add3A_324 = arith.constant 12288 : i32
        %add3A_325 = arith.addi %add3A_324, %mul3A_323 : i32
        %get3A_326 = arith.constant 0 : i32
        %get3A_327 = arith.index_cast %get3A_326 : i32 to index
        %get3A_328 = arith.index_cast %add3A_325 : i32 to index
        %get3A_329 = tpu.vector_load %arg5[%get3A_327, %get3A_328] {strides = array<i32>} : memref<2x40960xf32, #tpu.memory_space<vmem>>, vector<1x16xf32>,
        %get3A_330 = vector.shape_cast %get3A_329 : vector<1x16xf32> to vector<16xf32>
        %mul3A_331 = arith.constant 16 : i32
        %mul3A_332 = arith.muli %scan3A_321, %mul3A_331 : i32
        %add3A_333 = arith.constant 20480 : i32
        %add3A_334 = arith.addi %add3A_333, %mul3A_332 : i32
        %get3A_335 = arith.constant 0 : i32
        %get3A_336 = arith.index_cast %get3A_335 : i32 to index
        %get3A_337 = arith.index_cast %add3A_334 : i32 to index
        %get3A_338 = tpu.vector_load %arg5[%get3A_336, %get3A_337] {strides = array<i32>} : memref<2x40960xf32, #tpu.memory_space<vmem>>, vector<1x16xf32>,
        %get3A_339 = vector.shape_cast %get3A_338 : vector<1x16xf32> to vector<16xf32>
        %gt3A_340 = arith.constant 5.000000e-01 : f32
        %gt3A_341 = vector.broadcast %gt3A_340 : f32 to vector<16xf32>
        %gt3A_342 = arith.cmpf ogt, %get3A_124, %gt3A_341 : vector<16xf32>
        %gt3A_343 = arith.constant 5.000000e-01 : f32
        %gt3A_344 = vector.broadcast %gt3A_343 : f32 to vector<16xf32>
        %gt3A_345 = arith.cmpf ogt, %get3A_330, %gt3A_344 : vector<16xf32>
        %and3A_346 = arith.andi %gt3A_342, %gt3A_345 : vector<16xi1>
        %jit3A_347 = arith.constant 0.000000e+00 : f32
        %broadcast_in_dim3A_348 = vector.broadcast %jit3A_347 : f32 to vector<16xf32>
        %select_n3A_349 = arith.select %and3A_346, %broadcast_in_dim3A_348, %get3A_330 : vector<16xi1>, vector<16xf32>
        %mul3A_350 = arith.constant 16 : i32
        %mul3A_351 = arith.muli %scan3A_321, %mul3A_350 : i32
        %add3A_352 = arith.constant 12288 : i32
        %add3A_353 = arith.addi %add3A_352, %mul3A_351 : i32
        %swap3A_354 = arith.constant 0 : i32
        %swap3A_355 = arith.index_cast %swap3A_354 : i32 to index
        %swap3A_356 = arith.index_cast %add3A_353 : i32 to index
        %swap3A_357 = tpu.vector_load %arg5[%swap3A_355, %swap3A_356] {strides = array<i32>} : memref<2x40960xf32, #tpu.memory_space<vmem>>, vector<1x16xf32>,
        %swap3A_358 = vector.shape_cast %swap3A_357 : vector<1x16xf32> to vector<16xf32>
        %swap3A_359 = vector.shape_cast %select_n3A_349 : vector<16xf32> to vector<1x16xf32>
        tpu.vector_store %arg5[%swap3A_355, %swap3A_356], %swap3A_359 {strides = array<i32>} : memref<2x40960xf32, #tpu.memory_space<vmem>>, vector<1x16xf32>,
        %jit3A_360 = arith.constant 1.000000e+00 : f32
        %broadcast_in_dim3A_361 = vector.broadcast %jit3A_360 : f32 to vector<16xf32>
        %select_n3A_362 = arith.select %and3A_346, %broadcast_in_dim3A_361, %get3A_339 : vector<16xi1>, vector<16xf32>
        %mul3A_363 = arith.constant 16 : i32
        %mul3A_364 = arith.muli %scan3A_321, %mul3A_363 : i32
        %add3A_365 = arith.constant 20480 : i32
        %add3A_366 = arith.addi %add3A_365, %mul3A_364 : i32
        %swap3A_367 = arith.constant 0 : i32
        %swap3A_368 = arith.index_cast %swap3A_367 : i32 to index
        %swap3A_369 = arith.index_cast %add3A_366 : i32 to index
        %swap3A_370 = tpu.vector_load %arg5[%swap3A_368, %swap3A_369] {strides = array<i32>} : memref<2x40960xf32, #tpu.memory_space<vmem>>, vector<1x16xf32>,
        %swap3A_371 = vector.shape_cast %swap3A_370 : vector<1x16xf32> to vector<16xf32>
        %swap3A_372 = vector.shape_cast %select_n3A_362 : vector<16xf32> to vector<1x16xf32>
        tpu.vector_store %arg5[%swap3A_368, %swap3A_369], %swap3A_372 {strides = array<i32>} : memref<2x40960xf32, #tpu.memory_space<vmem>>, vector<1x16xf32>,
        %scan3A_373 = arith.constant 3 : i32
        %scan3A_374 = arith.addi %scan3A_221, %scan3A_373 : i32
        %mul3A_375 = arith.constant 16 : i32
        %mul3A_376 = arith.muli %scan3A_374, %mul3A_375 : i32
        %add3A_377 = arith.constant 12288 : i32
        %add3A_378 = arith.addi %add3A_377, %mul3A_376 : i32
        %get3A_379 = arith.constant 0 : i32
        %get3A_380 = arith.index_cast %get3A_379 : i32 to index
        %get3A_381 = arith.index_cast %add3A_378 : i32 to index
        %get3A_382 = tpu.vector_load %arg5[%get3A_380, %get3A_381] {strides = array<i32>} : memref<2x40960xf32, #tpu.memory_space<vmem>>, vector<1x16xf32>,
        %get3A_383 = vector.shape_cast %get3A_382 : vector<1x16xf32> to vector<16xf32>
        %mul3A_384 = arith.constant 16 : i32
        %mul3A_385 = arith.muli %scan3A_374, %mul3A_384 : i32
        %add3A_386 = arith.constant 20480 : i32
        %add3A_387 = arith.addi %add3A_386, %mul3A_385 : i32
        %get3A_388 = arith.constant 0 : i32
        %get3A_389 = arith.index_cast %get3A_388 : i32 to index
        %get3A_390 = arith.index_cast %add3A_387 : i32 to index
        %get3A_391 = tpu.vector_load %arg5[%get3A_389, %get3A_390] {strides = array<i32>} : memref<2x40960xf32, #tpu.memory_space<vmem>>, vector<1x16xf32>,
        %get3A_392 = vector.shape_cast %get3A_391 : vector<1x16xf32> to vector<16xf32>
        %gt3A_393 = arith.constant 5.000000e-01 : f32
        %gt3A_394 = vector.broadcast %gt3A_393 : f32 to vector<16xf32>
        %gt3A_395 = arith.cmpf ogt, %get3A_124, %gt3A_394 : vector<16xf32>
        %gt3A_396 = arith.constant 5.000000e-01 : f32
        %gt3A_397 = vector.broadcast %gt3A_396 : f32 to vector<16xf32>
        %gt3A_398 = arith.cmpf ogt, %get3A_383, %gt3A_397 : vector<16xf32>
        %and3A_399 = arith.andi %gt3A_395, %gt3A_398 : vector<16xi1>
        %jit3A_400 = arith.constant 0.000000e+00 : f32
        %broadcast_in_dim3A_401 = vector.broadcast %jit3A_400 : f32 to vector<16xf32>
        %select_n3A_402 = arith.select %and3A_399, %broadcast_in_dim3A_401, %get3A_383 : vector<16xi1>, vector<16xf32>
        %mul3A_403 = arith.constant 16 : i32
        %mul3A_404 = arith.muli %scan3A_374, %mul3A_403 : i32
        %add3A_405 = arith.constant 12288 : i32
        %add3A_406 = arith.addi %add3A_405, %mul3A_404 : i32
        %swap3A_407 = arith.constant 0 : i32
        %swap3A_408 = arith.index_cast %swap3A_407 : i32 to index
        %swap3A_409 = arith.index_cast %add3A_406 : i32 to index
        %swap3A_410 = tpu.vector_load %arg5[%swap3A_408, %swap3A_409] {strides = array<i32>} : memref<2x40960xf32, #tpu.memory_space<vmem>>, vector<1x16xf32>,
        %swap3A_411 = vector.shape_cast %swap3A_410 : vector<1x16xf32> to vector<16xf32>
        %swap3A_412 = vector.shape_cast %select_n3A_402 : vector<16xf32> to vector<1x16xf32>
        tpu.vector_store %arg5[%swap3A_408, %swap3A_409], %swap3A_412 {strides = array<i32>} : memref<2x40960xf32, #tpu.memory_space<vmem>>, vector<1x16xf32>,
        %jit3A_413 = arith.constant 1.000000e+00 : f32
        %broadcast_in_dim3A_414 = vector.broadcast %jit3A_413 : f32 to vector<16xf32>
        %select_n3A_415 = arith.select %and3A_399, %broadcast_in_dim3A_414, %get3A_392 : vector<16xi1>, vector<16xf32>
        %mul3A_416 = arith.constant 16 : i32
        %mul3A_417 = arith.muli %scan3A_374, %mul3A_416 : i32
        %add3A_418 = arith.constant 20480 : i32
        %add3A_419 = arith.addi %add3A_418, %mul3A_417 : i32
        %swap3A_420 = arith.constant 0 : i32
        %swap3A_421 = arith.index_cast %swap3A_420 : i32 to index
        %swap3A_422 = arith.index_cast %add3A_419 : i32 to index
        %swap3A_423 = tpu.vector_load %arg5[%swap3A_421, %swap3A_422] {strides = array<i32>} : memref<2x40960xf32, #tpu.memory_space<vmem>>, vector<1x16xf32>,
        %swap3A_424 = vector.shape_cast %swap3A_423 : vector<1x16xf32> to vector<16xf32>
        %swap3A_425 = vector.shape_cast %select_n3A_415 : vector<16xf32> to vector<1x16xf32>
        tpu.vector_store %arg5[%swap3A_421, %swap3A_422], %swap3A_425 {strides = array<i32>} : memref<2x40960xf32, #tpu.memory_space<vmem>>, vector<1x16xf32>,
        %scan3A_426 = arith.constant 4 : i32
        %scan3A_427 = arith.addi %scan3A_221, %scan3A_426 : i32
        %mul3A_428 = arith.constant 16 : i32
        %mul3A_429 = arith.muli %scan3A_427, %mul3A_428 : i32
        %add3A_430 = arith.constant 12288 : i32
        %add3A_431 = arith.addi %add3A_430, %mul3A_429 : i32
        %get3A_432 = arith.constant 0 : i32
        %get3A_433 = arith.index_cast %get3A_432 : i32 to index
        %get3A_434 = arith.index_cast %add3A_431 : i32 to index
        %get3A_435 = tpu.vector_load %arg5[%get3A_433, %get3A_434] {strides = array<i32>} : memref<2x40960xf32, #tpu.memory_space<vmem>>, vector<1x16xf32>,
        %get3A_436 = vector.shape_cast %get3A_435 : vector<1x16xf32> to vector<16xf32>
        %mul3A_437 = arith.constant 16 : i32
        %mul3A_438 = arith.muli %scan3A_427, %mul3A_437 : i32
        %add3A_439 = arith.constant 20480 : i32
        %add3A_440 = arith.addi %add3A_439, %mul3A_438 : i32
        %get3A_441 = arith.constant 0 : i32
        %get3A_442 = arith.index_cast %get3A_441 : i32 to index
        %get3A_443 = arith.index_cast %add3A_440 : i32 to index
        %get3A_444 = tpu.vector_load %arg5[%get3A_442, %get3A_443] {strides = array<i32>} : memref<2x40960xf32, #tpu.memory_space<vmem>>, vector<1x16xf32>,
        %get3A_445 = vector.shape_cast %get3A_444 : vector<1x16xf32> to vector<16xf32>
        %gt3A_446 = arith.constant 5.000000e-01 : f32
        %gt3A_447 = vector.broadcast %gt3A_446 : f32 to vector<16xf32>
        %gt3A_448 = arith.cmpf ogt, %get3A_124, %gt3A_447 : vector<16xf32>
        %gt3A_449 = arith.constant 5.000000e-01 : f32
        %gt3A_450 = vector.broadcast %gt3A_449 : f32 to vector<16xf32>
        %gt3A_451 = arith.cmpf ogt, %get3A_436, %gt3A_450 : vector<16xf32>
        %and3A_452 = arith.andi %gt3A_448, %gt3A_451 : vector<16xi1>
        %jit3A_453 = arith.constant 0.000000e+00 : f32
        %broadcast_in_dim3A_454 = vector.broadcast %jit3A_453 : f32 to vector<16xf32>
        %select_n3A_455 = arith.select %and3A_452, %broadcast_in_dim3A_454, %get3A_436 : vector<16xi1>, vector<16xf32>
        %mul3A_456 = arith.constant 16 : i32
        %mul3A_457 = arith.muli %scan3A_427, %mul3A_456 : i32
        %add3A_458 = arith.constant 12288 : i32
        %add3A_459 = arith.addi %add3A_458, %mul3A_457 : i32
        %swap3A_460 = arith.constant 0 : i32
        %swap3A_461 = arith.index_cast %swap3A_460 : i32 to index
        %swap3A_462 = arith.index_cast %add3A_459 : i32 to index
        %swap3A_463 = tpu.vector_load %arg5[%swap3A_461, %swap3A_462] {strides = array<i32>} : memref<2x40960xf32, #tpu.memory_space<vmem>>, vector<1x16xf32>,
        %swap3A_464 = vector.shape_cast %swap3A_463 : vector<1x16xf32> to vector<16xf32>
        %swap3A_465 = vector.shape_cast %select_n3A_455 : vector<16xf32> to vector<1x16xf32>
        tpu.vector_store %arg5[%swap3A_461, %swap3A_462], %swap3A_465 {strides = array<i32>} : memref<2x40960xf32, #tpu.memory_space<vmem>>, vector<1x16xf32>,
        %jit3A_466 = arith.constant 1.000000e+00 : f32
        %broadcast_in_dim3A_467 = vector.broadcast %jit3A_466 : f32 to vector<16xf32>
        %select_n3A_468 = arith.select %and3A_452, %broadcast_in_dim3A_467, %get3A_445 : vector<16xi1>, vector<16xf32>
        %mul3A_469 = arith.constant 16 : i32
        %mul3A_470 = arith.muli %scan3A_427, %mul3A_469 : i32
        %add3A_471 = arith.constant 20480 : i32
        %add3A_472 = arith.addi %add3A_471, %mul3A_470 : i32
        %swap3A_473 = arith.constant 0 : i32
        %swap3A_474 = arith.index_cast %swap3A_473 : i32 to index
        %swap3A_475 = arith.index_cast %add3A_472 : i32 to index
        %swap3A_476 = tpu.vector_load %arg5[%swap3A_474, %swap3A_475] {strides = array<i32>} : memref<2x40960xf32, #tpu.memory_space<vmem>>, vector<1x16xf32>,
        %swap3A_477 = vector.shape_cast %swap3A_476 : vector<1x16xf32> to vector<16xf32>
        %swap3A_478 = vector.shape_cast %select_n3A_468 : vector<16xf32> to vector<1x16xf32>
        tpu.vector_store %arg5[%swap3A_474, %swap3A_475], %swap3A_478 {strides = array<i32>} : memref<2x40960xf32, #tpu.memory_space<vmem>>, vector<1x16xf32>,
        %scan3A_479 = arith.constant 5 : i32
        %scan3A_480 = arith.addi %scan3A_221, %scan3A_479 : i32
        %mul3A_481 = arith.constant 16 : i32
        %mul3A_482 = arith.muli %scan3A_480, %mul3A_481 : i32
        %add3A_483 = arith.constant 12288 : i32
        %add3A_484 = arith.addi %add3A_483, %mul3A_482 : i32
        %get3A_485 = arith.constant 0 : i32
        %get3A_486 = arith.index_cast %get3A_485 : i32 to index
        %get3A_487 = arith.index_cast %add3A_484 : i32 to index
        %get3A_488 = tpu.vector_load %arg5[%get3A_486, %get3A_487] {strides = array<i32>} : memref<2x40960xf32, #tpu.memory_space<vmem>>, vector<1x16xf32>,
        %get3A_489 = vector.shape_cast %get3A_488 : vector<1x16xf32> to vector<16xf32>
        %mul3A_490 = arith.constant 16 : i32
        %mul3A_491 = arith.muli %scan3A_480, %mul3A_490 : i32
        %add3A_492 = arith.constant 20480 : i32
        %add3A_493 = arith.addi %add3A_492, %mul3A_491 : i32
        %get3A_494 = arith.constant 0 : i32
        %get3A_495 = arith.index_cast %get3A_494 : i32 to index
        %get3A_496 = arith.index_cast %add3A_493 : i32 to index
        %get3A_497 = tpu.vector_load %arg5[%get3A_495, %get3A_496] {strides = array<i32>} : memref<2x40960xf32, #tpu.memory_space<vmem>>, vector<1x16xf32>,
        %get3A_498 = vector.shape_cast %get3A_497 : vector<1x16xf32> to vector<16xf32>
        %gt3A_499 = arith.constant 5.000000e-01 : f32
        %gt3A_500 = vector.broadcast %gt3A_499 : f32 to vector<16xf32>
        %gt3A_501 = arith.cmpf ogt, %get3A_124, %gt3A_500 : vector<16xf32>
        %gt3A_502 = arith.constant 5.000000e-01 : f32
        %gt3A_503 = vector.broadcast %gt3A_502 : f32 to vector<16xf32>
        %gt3A_504 = arith.cmpf ogt, %get3A_489, %gt3A_503 : vector<16xf32>
        %and3A_505 = arith.andi %gt3A_501, %gt3A_504 : vector<16xi1>
        %jit3A_506 = arith.constant 0.000000e+00 : f32
        %broadcast_in_dim3A_507 = vector.broadcast %jit3A_506 : f32 to vector<16xf32>
        %select_n3A_508 = arith.select %and3A_505, %broadcast_in_dim3A_507, %get3A_489 : vector<16xi1>, vector<16xf32>
        %mul3A_509 = arith.constant 16 : i32
        %mul3A_510 = arith.muli %scan3A_480, %mul3A_509 : i32
        %add3A_511 = arith.constant 12288 : i32
        %add3A_512 = arith.addi %add3A_511, %mul3A_510 : i32
        %swap3A_513 = arith.constant 0 : i32
        %swap3A_514 = arith.index_cast %swap3A_513 : i32 to index
        %swap3A_515 = arith.index_cast %add3A_512 : i32 to index
        %swap3A_516 = tpu.vector_load %arg5[%swap3A_514, %swap3A_515] {strides = array<i32>} : memref<2x40960xf32, #tpu.memory_space<vmem>>, vector<1x16xf32>,
        %swap3A_517 = vector.shape_cast %swap3A_516 : vector<1x16xf32> to vector<16xf32>
        %swap3A_518 = vector.shape_cast %select_n3A_508 : vector<16xf32> to vector<1x16xf32>
        tpu.vector_store %arg5[%swap3A_514, %swap3A_515], %swap3A_518 {strides = array<i32>} : memref<2x40960xf32, #tpu.memory_space<vmem>>, vector<1x16xf32>,
        %jit3A_519 = arith.constant 1.000000e+00 : f32
        %broadcast_in_dim3A_520 = vector.broadcast %jit3A_519 : f32 to vector<16xf32>
        %select_n3A_521 = arith.select %and3A_505, %broadcast_in_dim3A_520, %get3A_498 : vector<16xi1>, vector<16xf32>
        %mul3A_522 = arith.constant 16 : i32
        %mul3A_523 = arith.muli %scan3A_480, %mul3A_522 : i32
        %add3A_524 = arith.constant 20480 : i32
        %add3A_525 = arith.addi %add3A_524, %mul3A_523 : i32
        %swap3A_526 = arith.constant 0 : i32
        %swap3A_527 = arith.index_cast %swap3A_526 : i32 to index
        %swap3A_528 = arith.index_cast %add3A_525 : i32 to index
        %swap3A_529 = tpu.vector_load %arg5[%swap3A_527, %swap3A_528] {strides = array<i32>} : memref<2x40960xf32, #tpu.memory_space<vmem>>, vector<1x16xf32>,
        %swap3A_530 = vector.shape_cast %swap3A_529 : vector<1x16xf32> to vector<16xf32>
        %swap3A_531 = vector.shape_cast %select_n3A_521 : vector<16xf32> to vector<1x16xf32>
        tpu.vector_store %arg5[%swap3A_527, %swap3A_528], %swap3A_531 {strides = array<i32>} : memref<2x40960xf32, #tpu.memory_space<vmem>>, vector<1x16xf32>,
        %scan3A_532 = arith.constant 6 : i32
        %scan3A_533 = arith.addi %scan3A_221, %scan3A_532 : i32
        %mul3A_534 = arith.constant 16 : i32
        %mul3A_535 = arith.muli %scan3A_533, %mul3A_534 : i32
        %add3A_536 = arith.constant 12288 : i32
        %add3A_537 = arith.addi %add3A_536, %mul3A_535 : i32
        %get3A_538 = arith.constant 0 : i32
        %get3A_539 = arith.index_cast %get3A_538 : i32 to index
        %get3A_540 = arith.index_cast %add3A_537 : i32 to index
        %get3A_541 = tpu.vector_load %arg5[%get3A_539, %get3A_540] {strides = array<i32>} : memref<2x40960xf32, #tpu.memory_space<vmem>>, vector<1x16xf32>,
        %get3A_542 = vector.shape_cast %get3A_541 : vector<1x16xf32> to vector<16xf32>
        %mul3A_543 = arith.constant 16 : i32
        %mul3A_544 = arith.muli %scan3A_533, %mul3A_543 : i32
        %add3A_545 = arith.constant 20480 : i32
        %add3A_546 = arith.addi %add3A_545, %mul3A_544 : i32
        %get3A_547 = arith.constant 0 : i32
        %get3A_548 = arith.index_cast %get3A_547 : i32 to index
        %get3A_549 = arith.index_cast %add3A_546 : i32 to index
        %get3A_550 = tpu.vector_load %arg5[%get3A_548, %get3A_549] {strides = array<i32>} : memref<2x40960xf32, #tpu.memory_space<vmem>>, vector<1x16xf32>,
        %get3A_551 = vector.shape_cast %get3A_550 : vector<1x16xf32> to vector<16xf32>
        %gt3A_552 = arith.constant 5.000000e-01 : f32
        %gt3A_553 = vector.broadcast %gt3A_552 : f32 to vector<16xf32>
        %gt3A_554 = arith.cmpf ogt, %get3A_124, %gt3A_553 : vector<16xf32>
        %gt3A_555 = arith.constant 5.000000e-01 : f32
        %gt3A_556 = vector.broadcast %gt3A_555 : f32 to vector<16xf32>
        %gt3A_557 = arith.cmpf ogt, %get3A_542, %gt3A_556 : vector<16xf32>
        %and3A_558 = arith.andi %gt3A_554, %gt3A_557 : vector<16xi1>
        %jit3A_559 = arith.constant 0.000000e+00 : f32
        %broadcast_in_dim3A_560 = vector.broadcast %jit3A_559 : f32 to vector<16xf32>
        %select_n3A_561 = arith.select %and3A_558, %broadcast_in_dim3A_560, %get3A_542 : vector<16xi1>, vector<16xf32>
        %mul3A_562 = arith.constant 16 : i32
        %mul3A_563 = arith.muli %scan3A_533, %mul3A_562 : i32
        %add3A_564 = arith.constant 12288 : i32
        %add3A_565 = arith.addi %add3A_564, %mul3A_563 : i32
        %swap3A_566 = arith.constant 0 : i32
        %swap3A_567 = arith.index_cast %swap3A_566 : i32 to index
        %swap3A_568 = arith.index_cast %add3A_565 : i32 to index
        %swap3A_569 = tpu.vector_load %arg5[%swap3A_567, %swap3A_568] {strides = array<i32>} : memref<2x40960xf32, #tpu.memory_space<vmem>>, vector<1x16xf32>,
        %swap3A_570 = vector.shape_cast %swap3A_569 : vector<1x16xf32> to vector<16xf32>
        %swap3A_571 = vector.shape_cast %select_n3A_561 : vector<16xf32> to vector<1x16xf32>
        tpu.vector_store %arg5[%swap3A_567, %swap3A_568], %swap3A_571 {strides = array<i32>} : memref<2x40960xf32, #tpu.memory_space<vmem>>, vector<1x16xf32>,
        %jit3A_572 = arith.constant 1.000000e+00 : f32
        %broadcast_in_dim3A_573 = vector.broadcast %jit3A_572 : f32 to vector<16xf32>
        %select_n3A_574 = arith.select %and3A_558, %broadcast_in_dim3A_573, %get3A_551 : vector<16xi1>, vector<16xf32>
        %mul3A_575 = arith.constant 16 : i32
        %mul3A_576 = arith.muli %scan3A_533, %mul3A_575 : i32
        %add3A_577 = arith.constant 20480 : i32
        %add3A_578 = arith.addi %add3A_577, %mul3A_576 : i32
        %swap3A_579 = arith.constant 0 : i32
        %swap3A_580 = arith.index_cast %swap3A_579 : i32 to index
        %swap3A_581 = arith.index_cast %add3A_578 : i32 to index
        %swap3A_582 = tpu.vector_load %arg5[%swap3A_580, %swap3A_581] {strides = array<i32>} : memref<2x40960xf32, #tpu.memory_space<vmem>>, vector<1x16xf32>,
        %swap3A_583 = vector.shape_cast %swap3A_582 : vector<1x16xf32> to vector<16xf32>
        %swap3A_584 = vector.shape_cast %select_n3A_574 : vector<16xf32> to vector<1x16xf32>
        tpu.vector_store %arg5[%swap3A_580, %swap3A_581], %swap3A_584 {strides = array<i32>} : memref<2x40960xf32, #tpu.memory_space<vmem>>, vector<1x16xf32>,
        %scan3A_585 = arith.constant 7 : i32
        %scan3A_586 = arith.addi %scan3A_221, %scan3A_585 : i32
        %mul3A_587 = arith.constant 16 : i32
        %mul3A_588 = arith.muli %scan3A_586, %mul3A_587 : i32
        %add3A_589 = arith.constant 12288 : i32
        %add3A_590 = arith.addi %add3A_589, %mul3A_588 : i32
        %get3A_591 = arith.constant 0 : i32
        %get3A_592 = arith.index_cast %get3A_591 : i32 to index
        %get3A_593 = arith.index_cast %add3A_590 : i32 to index
        %get3A_594 = tpu.vector_load %arg5[%get3A_592, %get3A_593] {strides = array<i32>} : memref<2x40960xf32, #tpu.memory_space<vmem>>, vector<1x16xf32>,
        %get3A_595 = vector.shape_cast %get3A_594 : vector<1x16xf32> to vector<16xf32>
        %mul3A_596 = arith.constant 16 : i32
        %mul3A_597 = arith.muli %scan3A_586, %mul3A_596 : i32
        %add3A_598 = arith.constant 20480 : i32
        %add3A_599 = arith.addi %add3A_598, %mul3A_597 : i32
        %get3A_600 = arith.constant 0 : i32
        %get3A_601 = arith.index_cast %get3A_600 : i32 to index
        %get3A_602 = arith.index_cast %add3A_599 : i32 to index
        %get3A_603 = tpu.vector_load %arg5[%get3A_601, %get3A_602] {strides = array<i32>} : memref<2x40960xf32, #tpu.memory_space<vmem>>, vector<1x16xf32>,
        %get3A_604 = vector.shape_cast %get3A_603 : vector<1x16xf32> to vector<16xf32>
        %gt3A_605 = arith.constant 5.000000e-01 : f32
        %gt3A_606 = vector.broadcast %gt3A_605 : f32 to vector<16xf32>
        %gt3A_607 = arith.cmpf ogt, %get3A_124, %gt3A_606 : vector<16xf32>
        %gt3A_608 = arith.constant 5.000000e-01 : f32
        %gt3A_609 = vector.broadcast %gt3A_608 : f32 to vector<16xf32>
        %gt3A_610 = arith.cmpf ogt, %get3A_595, %gt3A_609 : vector<16xf32>
        %and3A_611 = arith.andi %gt3A_607, %gt3A_610 : vector<16xi1>
        %jit3A_612 = arith.constant 0.000000e+00 : f32
        %broadcast_in_dim3A_613 = vector.broadcast %jit3A_612 : f32 to vector<16xf32>
        %select_n3A_614 = arith.select %and3A_611, %broadcast_in_dim3A_613, %get3A_595 : vector<16xi1>, vector<16xf32>
        %mul3A_615 = arith.constant 16 : i32
        %mul3A_616 = arith.muli %scan3A_586, %mul3A_615 : i32
        %add3A_617 = arith.constant 12288 : i32
        %add3A_618 = arith.addi %add3A_617, %mul3A_616 : i32
        %swap3A_619 = arith.constant 0 : i32
        %swap3A_620 = arith.index_cast %swap3A_619 : i32 to index
        %swap3A_621 = arith.index_cast %add3A_618 : i32 to index
        %swap3A_622 = tpu.vector_load %arg5[%swap3A_620, %swap3A_621] {strides = array<i32>} : memref<2x40960xf32, #tpu.memory_space<vmem>>, vector<1x16xf32>,
        %swap3A_623 = vector.shape_cast %swap3A_622 : vector<1x16xf32> to vector<16xf32>
        %swap3A_624 = vector.shape_cast %select_n3A_614 : vector<16xf32> to vector<1x16xf32>
        tpu.vector_store %arg5[%swap3A_620, %swap3A_621], %swap3A_624 {strides = array<i32>} : memref<2x40960xf32, #tpu.memory_space<vmem>>, vector<1x16xf32>,
        %jit3A_625 = arith.constant 1.000000e+00 : f32
        %broadcast_in_dim3A_626 = vector.broadcast %jit3A_625 : f32 to vector<16xf32>
        %select_n3A_627 = arith.select %and3A_611, %broadcast_in_dim3A_626, %get3A_604 : vector<16xi1>, vector<16xf32>
        %mul3A_628 = arith.constant 16 : i32
        %mul3A_629 = arith.muli %scan3A_586, %mul3A_628 : i32
        %add3A_630 = arith.constant 20480 : i32
        %add3A_631 = arith.addi %add3A_630, %mul3A_629 : i32
        %swap3A_632 = arith.constant 0 : i32
        %swap3A_633 = arith.index_cast %swap3A_632 : i32 to index
        %swap3A_634 = arith.index_cast %add3A_631 : i32 to index
        %swap3A_635 = tpu.vector_load %arg5[%swap3A_633, %swap3A_634] {strides = array<i32>} : memref<2x40960xf32, #tpu.memory_space<vmem>>, vector<1x16xf32>,
        %swap3A_636 = vector.shape_cast %swap3A_635 : vector<1x16xf32> to vector<16xf32>
        %swap3A_637 = vector.shape_cast %select_n3A_627 : vector<16xf32> to vector<1x16xf32>
        tpu.vector_store %arg5[%swap3A_633, %swap3A_634], %swap3A_637 {strides = array<i32>} : memref<2x40960xf32, #tpu.memory_space<vmem>>, vector<1x16xf32>,
      }
      %scan3A_130 = arith.constant 256 : i32
      %add3A_131 = arith.addi %mul3A_2, %add3A_82 : i32
      %dma_start3A_132 = arith.constant 0 : i32
      %dma_start3A_133 = arith.constant 0 : i32
      %dma_start3A_134 = arith.constant 0 : i32
      %dma_start3A_135 = tpu.memref_slice %arg5[%dma_start3A_132, %dma_start3A_134] : memref<2x40960xf32, #tpu.memory_space<vmem>> -> memref<1x40960xf32, #tpu.memory_space<vmem>>
      %dma_start3A_136 = tpu.memref_squeeze %dma_start3A_135 : memref<1x40960xf32, #tpu.memory_space<vmem>> -> memref<40960xf32, #tpu.memory_space<vmem>>
      %dma_start3A_137 = arith.constant 0 : i32
      %dma_start3A_138 = tpu.memref_slice %arg4[%add3A_131, %dma_start3A_137] : memref<1024x40960xf32, #tpu.memory_space<hbm>> -> memref<1x40960xf32, #tpu.memory_space<hbm>>
      %dma_start3A_139 = tpu.memref_squeeze %dma_start3A_138 : memref<1x40960xf32, #tpu.memory_space<hbm>> -> memref<40960xf32, #tpu.memory_space<hbm>>
      %dma_start3A_140 = tpu.memref_slice %arg9[%dma_start3A_133] : memref<2x!tpu.dma_semaphore, #tpu.memory_space<semaphore_mem>> -> memref<1x!tpu.dma_semaphore, #tpu.memory_space<semaphore_mem>>
      %dma_start3A_141 = tpu.memref_squeeze %dma_start3A_140 : memref<1x!tpu.dma_semaphore, #tpu.memory_space<semaphore_mem>> -> memref<!tpu.dma_semaphore, #tpu.memory_space<semaphore_mem>>
      %dma_start3A_142 = arith.constant 0 : i32
      %dma_start3A_143 = tpu.memref_slice %arg4[%add3A_131, %dma_start3A_142] : memref<1024x40960xf32, #tpu.memory_space<hbm>> -> memref<1x40960xf32, #tpu.memory_space<hbm>>
      %dma_start3A_144 = tpu.memref_squeeze %dma_start3A_143 : memref<1x40960xf32, #tpu.memory_space<hbm>> -> memref<40960xf32, #tpu.memory_space<hbm>>
      %dma_start3A_145 = arith.constant 0 : i32
      %dma_start3A_146 = tpu.memref_slice %arg5[%dma_start3A_132, %dma_start3A_145] : memref<2x40960xf32, #tpu.memory_space<vmem>> -> memref<1x40960xf32, #tpu.memory_space<vmem>>
      %dma_start3A_147 = tpu.memref_squeeze %dma_start3A_146 : memref<1x40960xf32, #tpu.memory_space<vmem>> -> memref<40960xf32, #tpu.memory_space<vmem>>
      tpu.enqueue_dma source(%dma_start3A_147 : memref<40960xf32, #tpu.memory_space<vmem>>) target(%dma_start3A_144 : memref<40960xf32, #tpu.memory_space<hbm>>) target_semaphore(%dma_start3A_141 : memref<!tpu.dma_semaphore, #tpu.memory_space<semaphore_mem>>)
      %mul3A_148 = arith.constant 2 : i32
      %mul3A_149 = arith.muli %scan3A_78, %mul3A_148 : i32
      %add3A_150 = arith.constant 1 : i32
      %add3A_151 = arith.addi %mul3A_149, %add3A_150 : i32
      %add3A_152 = arith.constant 1 : i32
      %add3A_153 = arith.addi %add3A_151, %add3A_152 : i32
      %lt3A_154 = arith.constant 32 : i32
      %lt3A_155 = arith.cmpi slt, %add3A_153, %lt3A_154 : i32
      %convert_element_type3A_156 = arith.extui %lt3A_155 : i1 to i32
      %cond3A_157 = arith.constant 0 : i32
      %cond3A_158 = arith.cmpi ne, %convert_element_type3A_156, %cond3A_157 : i32
      scf.if %cond3A_158 {
        %ge3A = arith.constant 1 : i32
        %ge3A_221 = arith.cmpi sge, %add3A_151, %ge3A : i32
        %convert_element_type3A_222 = arith.extui %ge3A_221 : i1 to i32
        %cond3A_223 = arith.constant 0 : i32
        %cond3A_224 = arith.cmpi ne, %convert_element_type3A_222, %cond3A_223 : i32
        scf.if %cond3A_224 {
          %sub3A = arith.constant 1 : i32
          %sub3A_263 = arith.subi %add3A_151, %sub3A : i32
          %add3A_264 = arith.addi %mul3A_2, %sub3A_263 : i32
          %dma_wait3A_265 = arith.constant 0 : i32
          %dma_wait3A_266 = arith.constant 0 : i32
          %dma_wait3A_267 = arith.constant 0 : i32
          %dma_wait3A_268 = tpu.memref_slice %arg5[%dma_wait3A_265, %dma_wait3A_267] : memref<2x40960xf32, #tpu.memory_space<vmem>> -> memref<1x40960xf32, #tpu.memory_space<vmem>>
          %dma_wait3A_269 = tpu.memref_squeeze %dma_wait3A_268 : memref<1x40960xf32, #tpu.memory_space<vmem>> -> memref<40960xf32, #tpu.memory_space<vmem>>
          %dma_wait3A_270 = arith.constant 0 : i32
          %dma_wait3A_271 = tpu.memref_slice %arg4[%add3A_264, %dma_wait3A_270] : memref<1024x40960xf32, #tpu.memory_space<hbm>> -> memref<1x40960xf32, #tpu.memory_space<hbm>>
          %dma_wait3A_272 = tpu.memref_squeeze %dma_wait3A_271 : memref<1x40960xf32, #tpu.memory_space<hbm>> -> memref<40960xf32, #tpu.memory_space<hbm>>
          %dma_wait3A_273 = tpu.memref_slice %arg9[%dma_wait3A_266] : memref<2x!tpu.dma_semaphore, #tpu.memory_space<semaphore_mem>> -> memref<1x!tpu.dma_semaphore, #tpu.memory_space<semaphore_mem>>
          %dma_wait3A_274 = tpu.memref_squeeze %dma_wait3A_273 : memref<1x!tpu.dma_semaphore, #tpu.memory_space<semaphore_mem>> -> memref<!tpu.dma_semaphore, #tpu.memory_space<semaphore_mem>>
          %dma_wait3A_275 = arith.constant 0 : i32
          %dma_wait3A_276 = tpu.memref_slice %arg4[%add3A_264, %dma_wait3A_275] : memref<1024x40960xf32, #tpu.memory_space<hbm>> -> memref<1x40960xf32, #tpu.memory_space<hbm>>
          %dma_wait3A_277 = tpu.memref_squeeze %dma_wait3A_276 : memref<1x40960xf32, #tpu.memory_space<hbm>> -> memref<40960xf32, #tpu.memory_space<hbm>>
          %dma_wait3A_278 = arith.constant 0 : i32
          %dma_wait3A_279 = tpu.memref_slice %arg5[%dma_wait3A_265, %dma_wait3A_278] : memref<2x40960xf32, #tpu.memory_space<vmem>> -> memref<1x40960xf32, #tpu.memory_space<vmem>>
          %dma_wait3A_280 = tpu.memref_squeeze %dma_wait3A_279 : memref<1x40960xf32, #tpu.memory_space<vmem>> -> memref<40960xf32, #tpu.memory_space<vmem>>
          tpu.wait_dma2 semaphore(%dma_wait3A_274 : memref<!tpu.dma_semaphore, #tpu.memory_space<semaphore_mem>>) src(%dma_wait3A_280 : memref<40960xf32, #tpu.memory_space<vmem>>) dst(%dma_wait3A_277 : memref<40960xf32, #tpu.memory_space<hbm>>)
        } else {
        }
        %add3A_225 = arith.constant 1 : i32
        %add3A_226 = arith.addi %add3A_151, %add3A_225 : i32
        %add3A_227 = arith.addi %mul3A_2, %add3A_226 : i32
        %dma_start3A_228 = arith.constant 0 : i32
        %dma_start3A_229 = arith.constant 0 : i32
        %dma_start3A_230 = arith.constant 0 : i32
        %dma_start3A_231 = tpu.memref_slice %arg5[%dma_start3A_228, %dma_start3A_230] : memref<2x40960xf32, #tpu.memory_space<vmem>> -> memref<1x40960xf32, #tpu.memory_space<vmem>>
        %dma_start3A_232 = tpu.memref_squeeze %dma_start3A_231 : memref<1x40960xf32, #tpu.memory_space<vmem>> -> memref<40960xf32, #tpu.memory_space<vmem>>
        %dma_start3A_233 = arith.constant 0 : i32
        %dma_start3A_234 = tpu.memref_slice %arg2[%add3A_227, %dma_start3A_233] : memref<1024x40960xf32, #tpu.memory_space<hbm>> -> memref<1x40960xf32, #tpu.memory_space<hbm>>
        %dma_start3A_235 = tpu.memref_squeeze %dma_start3A_234 : memref<1x40960xf32, #tpu.memory_space<hbm>> -> memref<40960xf32, #tpu.memory_space<hbm>>
        %dma_start3A_236 = tpu.memref_slice %arg7[%dma_start3A_229] : memref<2x!tpu.dma_semaphore, #tpu.memory_space<semaphore_mem>> -> memref<1x!tpu.dma_semaphore, #tpu.memory_space<semaphore_mem>>
        %dma_start3A_237 = tpu.memref_squeeze %dma_start3A_236 : memref<1x!tpu.dma_semaphore, #tpu.memory_space<semaphore_mem>> -> memref<!tpu.dma_semaphore, #tpu.memory_space<semaphore_mem>>
        %dma_start3A_238 = arith.constant 0 : i32
        %dma_start3A_239 = tpu.memref_slice %arg5[%dma_start3A_228, %dma_start3A_238] : memref<2x40960xf32, #tpu.memory_space<vmem>> -> memref<1x40960xf32, #tpu.memory_space<vmem>>
        %dma_start3A_240 = tpu.memref_squeeze %dma_start3A_239 : memref<1x40960xf32, #tpu.memory_space<vmem>> -> memref<40960xf32, #tpu.memory_space<vmem>>
        %dma_start3A_241 = arith.constant 0 : i32
        %dma_start3A_242 = tpu.memref_slice %arg2[%add3A_227, %dma_start3A_241] : memref<1024x40960xf32, #tpu.memory_space<hbm>> -> memref<1x40960xf32, #tpu.memory_space<hbm>>
        %dma_start3A_243 = tpu.memref_squeeze %dma_start3A_242 : memref<1x40960xf32, #tpu.memory_space<hbm>> -> memref<40960xf32, #tpu.memory_space<hbm>>
        tpu.enqueue_dma source(%dma_start3A_243 : memref<40960xf32, #tpu.memory_space<hbm>>) target(%dma_start3A_240 : memref<40960xf32, #tpu.memory_space<vmem>>) target_semaphore(%dma_start3A_237 : memref<!tpu.dma_semaphore, #tpu.memory_space<semaphore_mem>>)
        %add3A_244 = arith.constant 1 : i32
        %add3A_245 = arith.addi %add3A_151, %add3A_244 : i32
        %add3A_246 = arith.addi %mul3A_2, %add3A_245 : i32
        %dma_start3A_247 = arith.constant 0 : i32
        %dma_start3A_248 = arith.constant 0 : i32
        %dma_start3A_249 = arith.constant 0 : i32
        %dma_start3A_250 = tpu.memref_slice %arg6[%dma_start3A_247, %dma_start3A_249] : memref<2x128xf32, #tpu.memory_space<vmem>> -> memref<1x128xf32, #tpu.memory_space<vmem>>
        %dma_start3A_251 = tpu.memref_squeeze %dma_start3A_250 : memref<1x128xf32, #tpu.memory_space<vmem>> -> memref<128xf32, #tpu.memory_space<vmem>>
        %dma_start3A_252 = arith.constant 0 : i32
        %dma_start3A_253 = tpu.memref_slice %arg3[%add3A_246, %dma_start3A_252] : memref<1024x128xf32, #tpu.memory_space<hbm>> -> memref<1x128xf32, #tpu.memory_space<hbm>>
        %dma_start3A_254 = tpu.memref_squeeze %dma_start3A_253 : memref<1x128xf32, #tpu.memory_space<hbm>> -> memref<128xf32, #tpu.memory_space<hbm>>
        %dma_start3A_255 = tpu.memref_slice %arg8[%dma_start3A_248] : memref<2x!tpu.dma_semaphore, #tpu.memory_space<semaphore_mem>> -> memref<1x!tpu.dma_semaphore, #tpu.memory_space<semaphore_mem>>
        %dma_start3A_256 = tpu.memref_squeeze %dma_start3A_255 : memref<1x!tpu.dma_semaphore, #tpu.memory_space<semaphore_mem>> -> memref<!tpu.dma_semaphore, #tpu.memory_space<semaphore_mem>>
        %dma_start3A_257 = arith.constant 0 : i32
        %dma_start3A_258 = tpu.memref_slice %arg6[%dma_start3A_247, %dma_start3A_257] : memref<2x128xf32, #tpu.memory_space<vmem>> -> memref<1x128xf32, #tpu.memory_space<vmem>>
        %dma_start3A_259 = tpu.memref_squeeze %dma_start3A_258 : memref<1x128xf32, #tpu.memory_space<vmem>> -> memref<128xf32, #tpu.memory_space<vmem>>
        %dma_start3A_260 = arith.constant 0 : i32
        %dma_start3A_261 = tpu.memref_slice %arg3[%add3A_246, %dma_start3A_260] : memref<1024x128xf32, #tpu.memory_space<hbm>> -> memref<1x128xf32, #tpu.memory_space<hbm>>
        %dma_start3A_262 = tpu.memref_squeeze %dma_start3A_261 : memref<1x128xf32, #tpu.memory_space<hbm>> -> memref<128xf32, #tpu.memory_space<hbm>>
        tpu.enqueue_dma source(%dma_start3A_262 : memref<128xf32, #tpu.memory_space<hbm>>) target(%dma_start3A_259 : memref<128xf32, #tpu.memory_space<vmem>>) target_semaphore(%dma_start3A_256 : memref<!tpu.dma_semaphore, #tpu.memory_space<semaphore_mem>>)
      } else {
      }
      %add3A_159 = arith.addi %mul3A_2, %add3A_151 : i32
      %dma_wait3A_160 = arith.constant 1 : i32
      %dma_wait3A_161 = arith.constant 1 : i32
      %dma_wait3A_162 = arith.constant 0 : i32
      %dma_wait3A_163 = tpu.memref_slice %arg5[%dma_wait3A_160, %dma_wait3A_162] : memref<2x40960xf32, #tpu.memory_space<vmem>> -> memref<1x40960xf32, #tpu.memory_space<vmem>>
      %dma_wait3A_164 = tpu.memref_squeeze %dma_wait3A_163 : memref<1x40960xf32, #tpu.memory_space<vmem>> -> memref<40960xf32, #tpu.memory_space<vmem>>
      %dma_wait3A_165 = arith.constant 0 : i32
      %dma_wait3A_166 = tpu.memref_slice %arg2[%add3A_159, %dma_wait3A_165] : memref<1024x40960xf32, #tpu.memory_space<hbm>> -> memref<1x40960xf32, #tpu.memory_space<hbm>>
      %dma_wait3A_167 = tpu.memref_squeeze %dma_wait3A_166 : memref<1x40960xf32, #tpu.memory_space<hbm>> -> memref<40960xf32, #tpu.memory_space<hbm>>
      %dma_wait3A_168 = tpu.memref_slice %arg7[%dma_wait3A_161] : memref<2x!tpu.dma_semaphore, #tpu.memory_space<semaphore_mem>> -> memref<1x!tpu.dma_semaphore, #tpu.memory_space<semaphore_mem>>
      %dma_wait3A_169 = tpu.memref_squeeze %dma_wait3A_168 : memref<1x!tpu.dma_semaphore, #tpu.memory_space<semaphore_mem>> -> memref<!tpu.dma_semaphore, #tpu.memory_space<semaphore_mem>>
      %dma_wait3A_170 = arith.constant 0 : i32
      %dma_wait3A_171 = tpu.memref_slice %arg5[%dma_wait3A_160, %dma_wait3A_170] : memref<2x40960xf32, #tpu.memory_space<vmem>> -> memref<1x40960xf32, #tpu.memory_space<vmem>>
      %dma_wait3A_172 = tpu.memref_squeeze %dma_wait3A_171 : memref<1x40960xf32, #tpu.memory_space<vmem>> -> memref<40960xf32, #tpu.memory_space<vmem>>
      %dma_wait3A_173 = arith.constant 0 : i32
      %dma_wait3A_174 = tpu.memref_slice %arg2[%add3A_159, %dma_wait3A_173] : memref<1024x40960xf32, #tpu.memory_space<hbm>> -> memref<1x40960xf32, #tpu.memory_space<hbm>>
      %dma_wait3A_175 = tpu.memref_squeeze %dma_wait3A_174 : memref<1x40960xf32, #tpu.memory_space<hbm>> -> memref<40960xf32, #tpu.memory_space<hbm>>
      tpu.wait_dma2 semaphore(%dma_wait3A_169 : memref<!tpu.dma_semaphore, #tpu.memory_space<semaphore_mem>>) src(%dma_wait3A_175 : memref<40960xf32, #tpu.memory_space<hbm>>) dst(%dma_wait3A_172 : memref<40960xf32, #tpu.memory_space<vmem>>)
      %add3A_176 = arith.addi %mul3A_2, %add3A_151 : i32
      %dma_wait3A_177 = arith.constant 1 : i32
      %dma_wait3A_178 = arith.constant 1 : i32
      %dma_wait3A_179 = arith.constant 0 : i32
      %dma_wait3A_180 = tpu.memref_slice %arg6[%dma_wait3A_177, %dma_wait3A_179] : memref<2x128xf32, #tpu.memory_space<vmem>> -> memref<1x128xf32, #tpu.memory_space<vmem>>
      %dma_wait3A_181 = tpu.memref_squeeze %dma_wait3A_180 : memref<1x128xf32, #tpu.memory_space<vmem>> -> memref<128xf32, #tpu.memory_space<vmem>>
      %dma_wait3A_182 = arith.constant 0 : i32
      %dma_wait3A_183 = tpu.memref_slice %arg3[%add3A_176, %dma_wait3A_182] : memref<1024x128xf32, #tpu.memory_space<hbm>> -> memref<1x128xf32, #tpu.memory_space<hbm>>
      %dma_wait3A_184 = tpu.memref_squeeze %dma_wait3A_183 : memref<1x128xf32, #tpu.memory_space<hbm>> -> memref<128xf32, #tpu.memory_space<hbm>>
      %dma_wait3A_185 = tpu.memref_slice %arg8[%dma_wait3A_178] : memref<2x!tpu.dma_semaphore, #tpu.memory_space<semaphore_mem>> -> memref<1x!tpu.dma_semaphore, #tpu.memory_space<semaphore_mem>>
      %dma_wait3A_186 = tpu.memref_squeeze %dma_wait3A_185 : memref<1x!tpu.dma_semaphore, #tpu.memory_space<semaphore_mem>> -> memref<!tpu.dma_semaphore, #tpu.memory_space<semaphore_mem>>
      %dma_wait3A_187 = arith.constant 0 : i32
      %dma_wait3A_188 = tpu.memref_slice %arg6[%dma_wait3A_177, %dma_wait3A_187] : memref<2x128xf32, #tpu.memory_space<vmem>> -> memref<1x128xf32, #tpu.memory_space<vmem>>
      %dma_wait3A_189 = tpu.memref_squeeze %dma_wait3A_188 : memref<1x128xf32, #tpu.memory_space<vmem>> -> memref<128xf32, #tpu.memory_space<vmem>>
      %dma_wait3A_190 = arith.constant 0 : i32
      %dma_wait3A_191 = tpu.memref_slice %arg3[%add3A_176, %dma_wait3A_190] : memref<1024x128xf32, #tpu.memory_space<hbm>> -> memref<1x128xf32, #tpu.memory_space<hbm>>
      %dma_wait3A_192 = tpu.memref_squeeze %dma_wait3A_191 : memref<1x128xf32, #tpu.memory_space<hbm>> -> memref<128xf32, #tpu.memory_space<hbm>>
      tpu.wait_dma2 semaphore(%dma_wait3A_186 : memref<!tpu.dma_semaphore, #tpu.memory_space<semaphore_mem>>) src(%dma_wait3A_192 : memref<128xf32, #tpu.memory_space<hbm>>) dst(%dma_wait3A_189 : memref<128xf32, #tpu.memory_space<vmem>>)
      %get3A_193 = arith.constant 1 : i32
      %get3A_194 = arith.index_cast %get3A_193 : i32 to index
      %get3A_195 = arith.constant 0 : index
      %get3A_196 = tpu.vector_load %arg6[%get3A_194, %get3A_195] {strides = array<i32>} : memref<2x128xf32, #tpu.memory_space<vmem>>, vector<1x16xf32>,
      %get3A_197 = vector.shape_cast %get3A_196 : vector<1x16xf32> to vector<16xf32>
      %scan3A_198 = arith.constant 0 : i32
      %scan3A_199 = arith.constant 0 : i32
      %scan3A_200 = arith.constant 256 : i32
      %scan3A_201 = arith.addi %scan3A_199, %scan3A_200 : i32
      %scan3A_202 = arith.constant 8 : i32
      scf.for %scan3A_221 = %scan3A_199 to %scan3A_201 step %scan3A_202  : i32 {
        %mul3A_222 = arith.constant 16 : i32
        %mul3A_223 = arith.muli %scan3A_221, %mul3A_222 : i32
        %add3A_224 = arith.constant 12288 : i32
        %add3A_225 = arith.addi %add3A_224, %mul3A_223 : i32
        %get3A_226 = arith.constant 1 : i32
        %get3A_227 = arith.index_cast %get3A_226 : i32 to index
        %get3A_228 = arith.index_cast %add3A_225 : i32 to index
        %get3A_229 = tpu.vector_load %arg5[%get3A_227, %get3A_228] {strides = array<i32>} : memref<2x40960xf32, #tpu.memory_space<vmem>>, vector<1x16xf32>,
        %get3A_230 = vector.shape_cast %get3A_229 : vector<1x16xf32> to vector<16xf32>
        %mul3A_231 = arith.constant 16 : i32
        %mul3A_232 = arith.muli %scan3A_221, %mul3A_231 : i32
        %add3A_233 = arith.constant 20480 : i32
        %add3A_234 = arith.addi %add3A_233, %mul3A_232 : i32
        %get3A_235 = arith.constant 1 : i32
        %get3A_236 = arith.index_cast %get3A_235 : i32 to index
        %get3A_237 = arith.index_cast %add3A_234 : i32 to index
        %get3A_238 = tpu.vector_load %arg5[%get3A_236, %get3A_237] {strides = array<i32>} : memref<2x40960xf32, #tpu.memory_space<vmem>>, vector<1x16xf32>,
        %get3A_239 = vector.shape_cast %get3A_238 : vector<1x16xf32> to vector<16xf32>
        %gt3A = arith.constant 5.000000e-01 : f32
        %gt3A_240 = vector.broadcast %gt3A : f32 to vector<16xf32>
        %gt3A_241 = arith.cmpf ogt, %get3A_197, %gt3A_240 : vector<16xf32>
        %gt3A_242 = arith.constant 5.000000e-01 : f32
        %gt3A_243 = vector.broadcast %gt3A_242 : f32 to vector<16xf32>
        %gt3A_244 = arith.cmpf ogt, %get3A_230, %gt3A_243 : vector<16xf32>
        %and3A = arith.andi %gt3A_241, %gt3A_244 : vector<16xi1>
        %jit3A = arith.constant 0.000000e+00 : f32
        %broadcast_in_dim3A = vector.broadcast %jit3A : f32 to vector<16xf32>
        %select_n3A = arith.select %and3A, %broadcast_in_dim3A, %get3A_230 : vector<16xi1>, vector<16xf32>
        %mul3A_245 = arith.constant 16 : i32
        %mul3A_246 = arith.muli %scan3A_221, %mul3A_245 : i32
        %add3A_247 = arith.constant 12288 : i32
        %add3A_248 = arith.addi %add3A_247, %mul3A_246 : i32
        %swap3A = arith.constant 1 : i32
        %swap3A_249 = arith.index_cast %swap3A : i32 to index
        %swap3A_250 = arith.index_cast %add3A_248 : i32 to index
        %swap3A_251 = tpu.vector_load %arg5[%swap3A_249, %swap3A_250] {strides = array<i32>} : memref<2x40960xf32, #tpu.memory_space<vmem>>, vector<1x16xf32>,
        %swap3A_252 = vector.shape_cast %swap3A_251 : vector<1x16xf32> to vector<16xf32>
        %swap3A_253 = vector.shape_cast %select_n3A : vector<16xf32> to vector<1x16xf32>
        tpu.vector_store %arg5[%swap3A_249, %swap3A_250], %swap3A_253 {strides = array<i32>} : memref<2x40960xf32, #tpu.memory_space<vmem>>, vector<1x16xf32>,
        %jit3A_254 = arith.constant 1.000000e+00 : f32
        %broadcast_in_dim3A_255 = vector.broadcast %jit3A_254 : f32 to vector<16xf32>
        %select_n3A_256 = arith.select %and3A, %broadcast_in_dim3A_255, %get3A_239 : vector<16xi1>, vector<16xf32>
        %mul3A_257 = arith.constant 16 : i32
        %mul3A_258 = arith.muli %scan3A_221, %mul3A_257 : i32
        %add3A_259 = arith.constant 20480 : i32
        %add3A_260 = arith.addi %add3A_259, %mul3A_258 : i32
        %swap3A_261 = arith.constant 1 : i32
        %swap3A_262 = arith.index_cast %swap3A_261 : i32 to index
        %swap3A_263 = arith.index_cast %add3A_260 : i32 to index
        %swap3A_264 = tpu.vector_load %arg5[%swap3A_262, %swap3A_263] {strides = array<i32>} : memref<2x40960xf32, #tpu.memory_space<vmem>>, vector<1x16xf32>,
        %swap3A_265 = vector.shape_cast %swap3A_264 : vector<1x16xf32> to vector<16xf32>
        %swap3A_266 = vector.shape_cast %select_n3A_256 : vector<16xf32> to vector<1x16xf32>
        tpu.vector_store %arg5[%swap3A_262, %swap3A_263], %swap3A_266 {strides = array<i32>} : memref<2x40960xf32, #tpu.memory_space<vmem>>, vector<1x16xf32>,
        %scan3A_267 = arith.constant 1 : i32
        %scan3A_268 = arith.addi %scan3A_221, %scan3A_267 : i32
        %mul3A_269 = arith.constant 16 : i32
        %mul3A_270 = arith.muli %scan3A_268, %mul3A_269 : i32
        %add3A_271 = arith.constant 12288 : i32
        %add3A_272 = arith.addi %add3A_271, %mul3A_270 : i32
        %get3A_273 = arith.constant 1 : i32
        %get3A_274 = arith.index_cast %get3A_273 : i32 to index
        %get3A_275 = arith.index_cast %add3A_272 : i32 to index
        %get3A_276 = tpu.vector_load %arg5[%get3A_274, %get3A_275] {strides = array<i32>} : memref<2x40960xf32, #tpu.memory_space<vmem>>, vector<1x16xf32>,
        %get3A_277 = vector.shape_cast %get3A_276 : vector<1x16xf32> to vector<16xf32>
        %mul3A_278 = arith.constant 16 : i32
        %mul3A_279 = arith.muli %scan3A_268, %mul3A_278 : i32
        %add3A_280 = arith.constant 20480 : i32
        %add3A_281 = arith.addi %add3A_280, %mul3A_279 : i32
        %get3A_282 = arith.constant 1 : i32
        %get3A_283 = arith.index_cast %get3A_282 : i32 to index
        %get3A_284 = arith.index_cast %add3A_281 : i32 to index
        %get3A_285 = tpu.vector_load %arg5[%get3A_283, %get3A_284] {strides = array<i32>} : memref<2x40960xf32, #tpu.memory_space<vmem>>, vector<1x16xf32>,
        %get3A_286 = vector.shape_cast %get3A_285 : vector<1x16xf32> to vector<16xf32>
        %gt3A_287 = arith.constant 5.000000e-01 : f32
        %gt3A_288 = vector.broadcast %gt3A_287 : f32 to vector<16xf32>
        %gt3A_289 = arith.cmpf ogt, %get3A_197, %gt3A_288 : vector<16xf32>
        %gt3A_290 = arith.constant 5.000000e-01 : f32
        %gt3A_291 = vector.broadcast %gt3A_290 : f32 to vector<16xf32>
        %gt3A_292 = arith.cmpf ogt, %get3A_277, %gt3A_291 : vector<16xf32>
        %and3A_293 = arith.andi %gt3A_289, %gt3A_292 : vector<16xi1>
        %jit3A_294 = arith.constant 0.000000e+00 : f32
        %broadcast_in_dim3A_295 = vector.broadcast %jit3A_294 : f32 to vector<16xf32>
        %select_n3A_296 = arith.select %and3A_293, %broadcast_in_dim3A_295, %get3A_277 : vector<16xi1>, vector<16xf32>
        %mul3A_297 = arith.constant 16 : i32
        %mul3A_298 = arith.muli %scan3A_268, %mul3A_297 : i32
        %add3A_299 = arith.constant 12288 : i32
        %add3A_300 = arith.addi %add3A_299, %mul3A_298 : i32
        %swap3A_301 = arith.constant 1 : i32
        %swap3A_302 = arith.index_cast %swap3A_301 : i32 to index
        %swap3A_303 = arith.index_cast %add3A_300 : i32 to index
        %swap3A_304 = tpu.vector_load %arg5[%swap3A_302, %swap3A_303] {strides = array<i32>} : memref<2x40960xf32, #tpu.memory_space<vmem>>, vector<1x16xf32>,
        %swap3A_305 = vector.shape_cast %swap3A_304 : vector<1x16xf32> to vector<16xf32>
        %swap3A_306 = vector.shape_cast %select_n3A_296 : vector<16xf32> to vector<1x16xf32>
        tpu.vector_store %arg5[%swap3A_302, %swap3A_303], %swap3A_306 {strides = array<i32>} : memref<2x40960xf32, #tpu.memory_space<vmem>>, vector<1x16xf32>,
        %jit3A_307 = arith.constant 1.000000e+00 : f32
        %broadcast_in_dim3A_308 = vector.broadcast %jit3A_307 : f32 to vector<16xf32>
        %select_n3A_309 = arith.select %and3A_293, %broadcast_in_dim3A_308, %get3A_286 : vector<16xi1>, vector<16xf32>
        %mul3A_310 = arith.constant 16 : i32
        %mul3A_311 = arith.muli %scan3A_268, %mul3A_310 : i32
        %add3A_312 = arith.constant 20480 : i32
        %add3A_313 = arith.addi %add3A_312, %mul3A_311 : i32
        %swap3A_314 = arith.constant 1 : i32
        %swap3A_315 = arith.index_cast %swap3A_314 : i32 to index
        %swap3A_316 = arith.index_cast %add3A_313 : i32 to index
        %swap3A_317 = tpu.vector_load %arg5[%swap3A_315, %swap3A_316] {strides = array<i32>} : memref<2x40960xf32, #tpu.memory_space<vmem>>, vector<1x16xf32>,
        %swap3A_318 = vector.shape_cast %swap3A_317 : vector<1x16xf32> to vector<16xf32>
        %swap3A_319 = vector.shape_cast %select_n3A_309 : vector<16xf32> to vector<1x16xf32>
        tpu.vector_store %arg5[%swap3A_315, %swap3A_316], %swap3A_319 {strides = array<i32>} : memref<2x40960xf32, #tpu.memory_space<vmem>>, vector<1x16xf32>,
        %scan3A_320 = arith.constant 2 : i32
        %scan3A_321 = arith.addi %scan3A_221, %scan3A_320 : i32
        %mul3A_322 = arith.constant 16 : i32
        %mul3A_323 = arith.muli %scan3A_321, %mul3A_322 : i32
        %add3A_324 = arith.constant 12288 : i32
        %add3A_325 = arith.addi %add3A_324, %mul3A_323 : i32
        %get3A_326 = arith.constant 1 : i32
        %get3A_327 = arith.index_cast %get3A_326 : i32 to index
        %get3A_328 = arith.index_cast %add3A_325 : i32 to index
        %get3A_329 = tpu.vector_load %arg5[%get3A_327, %get3A_328] {strides = array<i32>} : memref<2x40960xf32, #tpu.memory_space<vmem>>, vector<1x16xf32>,
        %get3A_330 = vector.shape_cast %get3A_329 : vector<1x16xf32> to vector<16xf32>
        %mul3A_331 = arith.constant 16 : i32
        %mul3A_332 = arith.muli %scan3A_321, %mul3A_331 : i32
        %add3A_333 = arith.constant 20480 : i32
        %add3A_334 = arith.addi %add3A_333, %mul3A_332 : i32
        %get3A_335 = arith.constant 1 : i32
        %get3A_336 = arith.index_cast %get3A_335 : i32 to index
        %get3A_337 = arith.index_cast %add3A_334 : i32 to index
        %get3A_338 = tpu.vector_load %arg5[%get3A_336, %get3A_337] {strides = array<i32>} : memref<2x40960xf32, #tpu.memory_space<vmem>>, vector<1x16xf32>,
        %get3A_339 = vector.shape_cast %get3A_338 : vector<1x16xf32> to vector<16xf32>
        %gt3A_340 = arith.constant 5.000000e-01 : f32
        %gt3A_341 = vector.broadcast %gt3A_340 : f32 to vector<16xf32>
        %gt3A_342 = arith.cmpf ogt, %get3A_197, %gt3A_341 : vector<16xf32>
        %gt3A_343 = arith.constant 5.000000e-01 : f32
        %gt3A_344 = vector.broadcast %gt3A_343 : f32 to vector<16xf32>
        %gt3A_345 = arith.cmpf ogt, %get3A_330, %gt3A_344 : vector<16xf32>
        %and3A_346 = arith.andi %gt3A_342, %gt3A_345 : vector<16xi1>
        %jit3A_347 = arith.constant 0.000000e+00 : f32
        %broadcast_in_dim3A_348 = vector.broadcast %jit3A_347 : f32 to vector<16xf32>
        %select_n3A_349 = arith.select %and3A_346, %broadcast_in_dim3A_348, %get3A_330 : vector<16xi1>, vector<16xf32>
        %mul3A_350 = arith.constant 16 : i32
        %mul3A_351 = arith.muli %scan3A_321, %mul3A_350 : i32
        %add3A_352 = arith.constant 12288 : i32
        %add3A_353 = arith.addi %add3A_352, %mul3A_351 : i32
        %swap3A_354 = arith.constant 1 : i32
        %swap3A_355 = arith.index_cast %swap3A_354 : i32 to index
        %swap3A_356 = arith.index_cast %add3A_353 : i32 to index
        %swap3A_357 = tpu.vector_load %arg5[%swap3A_355, %swap3A_356] {strides = array<i32>} : memref<2x40960xf32, #tpu.memory_space<vmem>>, vector<1x16xf32>,
        %swap3A_358 = vector.shape_cast %swap3A_357 : vector<1x16xf32> to vector<16xf32>
        %swap3A_359 = vector.shape_cast %select_n3A_349 : vector<16xf32> to vector<1x16xf32>
        tpu.vector_store %arg5[%swap3A_355, %swap3A_356], %swap3A_359 {strides = array<i32>} : memref<2x40960xf32, #tpu.memory_space<vmem>>, vector<1x16xf32>,
        %jit3A_360 = arith.constant 1.000000e+00 : f32
        %broadcast_in_dim3A_361 = vector.broadcast %jit3A_360 : f32 to vector<16xf32>
        %select_n3A_362 = arith.select %and3A_346, %broadcast_in_dim3A_361, %get3A_339 : vector<16xi1>, vector<16xf32>
        %mul3A_363 = arith.constant 16 : i32
        %mul3A_364 = arith.muli %scan3A_321, %mul3A_363 : i32
        %add3A_365 = arith.constant 20480 : i32
        %add3A_366 = arith.addi %add3A_365, %mul3A_364 : i32
        %swap3A_367 = arith.constant 1 : i32
        %swap3A_368 = arith.index_cast %swap3A_367 : i32 to index
        %swap3A_369 = arith.index_cast %add3A_366 : i32 to index
        %swap3A_370 = tpu.vector_load %arg5[%swap3A_368, %swap3A_369] {strides = array<i32>} : memref<2x40960xf32, #tpu.memory_space<vmem>>, vector<1x16xf32>,
        %swap3A_371 = vector.shape_cast %swap3A_370 : vector<1x16xf32> to vector<16xf32>
        %swap3A_372 = vector.shape_cast %select_n3A_362 : vector<16xf32> to vector<1x16xf32>
        tpu.vector_store %arg5[%swap3A_368, %swap3A_369], %swap3A_372 {strides = array<i32>} : memref<2x40960xf32, #tpu.memory_space<vmem>>, vector<1x16xf32>,
        %scan3A_373 = arith.constant 3 : i32
        %scan3A_374 = arith.addi %scan3A_221, %scan3A_373 : i32
        %mul3A_375 = arith.constant 16 : i32
        %mul3A_376 = arith.muli %scan3A_374, %mul3A_375 : i32
        %add3A_377 = arith.constant 12288 : i32
        %add3A_378 = arith.addi %add3A_377, %mul3A_376 : i32
        %get3A_379 = arith.constant 1 : i32
        %get3A_380 = arith.index_cast %get3A_379 : i32 to index
        %get3A_381 = arith.index_cast %add3A_378 : i32 to index
        %get3A_382 = tpu.vector_load %arg5[%get3A_380, %get3A_381] {strides = array<i32>} : memref<2x40960xf32, #tpu.memory_space<vmem>>, vector<1x16xf32>,
        %get3A_383 = vector.shape_cast %get3A_382 : vector<1x16xf32> to vector<16xf32>
        %mul3A_384 = arith.constant 16 : i32
        %mul3A_385 = arith.muli %scan3A_374, %mul3A_384 : i32
        %add3A_386 = arith.constant 20480 : i32
        %add3A_387 = arith.addi %add3A_386, %mul3A_385 : i32
        %get3A_388 = arith.constant 1 : i32
        %get3A_389 = arith.index_cast %get3A_388 : i32 to index
        %get3A_390 = arith.index_cast %add3A_387 : i32 to index
        %get3A_391 = tpu.vector_load %arg5[%get3A_389, %get3A_390] {strides = array<i32>} : memref<2x40960xf32, #tpu.memory_space<vmem>>, vector<1x16xf32>,
        %get3A_392 = vector.shape_cast %get3A_391 : vector<1x16xf32> to vector<16xf32>
        %gt3A_393 = arith.constant 5.000000e-01 : f32
        %gt3A_394 = vector.broadcast %gt3A_393 : f32 to vector<16xf32>
        %gt3A_395 = arith.cmpf ogt, %get3A_197, %gt3A_394 : vector<16xf32>
        %gt3A_396 = arith.constant 5.000000e-01 : f32
        %gt3A_397 = vector.broadcast %gt3A_396 : f32 to vector<16xf32>
        %gt3A_398 = arith.cmpf ogt, %get3A_383, %gt3A_397 : vector<16xf32>
        %and3A_399 = arith.andi %gt3A_395, %gt3A_398 : vector<16xi1>
        %jit3A_400 = arith.constant 0.000000e+00 : f32
        %broadcast_in_dim3A_401 = vector.broadcast %jit3A_400 : f32 to vector<16xf32>
        %select_n3A_402 = arith.select %and3A_399, %broadcast_in_dim3A_401, %get3A_383 : vector<16xi1>, vector<16xf32>
        %mul3A_403 = arith.constant 16 : i32
        %mul3A_404 = arith.muli %scan3A_374, %mul3A_403 : i32
        %add3A_405 = arith.constant 12288 : i32
        %add3A_406 = arith.addi %add3A_405, %mul3A_404 : i32
        %swap3A_407 = arith.constant 1 : i32
        %swap3A_408 = arith.index_cast %swap3A_407 : i32 to index
        %swap3A_409 = arith.index_cast %add3A_406 : i32 to index
        %swap3A_410 = tpu.vector_load %arg5[%swap3A_408, %swap3A_409] {strides = array<i32>} : memref<2x40960xf32, #tpu.memory_space<vmem>>, vector<1x16xf32>,
        %swap3A_411 = vector.shape_cast %swap3A_410 : vector<1x16xf32> to vector<16xf32>
        %swap3A_412 = vector.shape_cast %select_n3A_402 : vector<16xf32> to vector<1x16xf32>
        tpu.vector_store %arg5[%swap3A_408, %swap3A_409], %swap3A_412 {strides = array<i32>} : memref<2x40960xf32, #tpu.memory_space<vmem>>, vector<1x16xf32>,
        %jit3A_413 = arith.constant 1.000000e+00 : f32
        %broadcast_in_dim3A_414 = vector.broadcast %jit3A_413 : f32 to vector<16xf32>
        %select_n3A_415 = arith.select %and3A_399, %broadcast_in_dim3A_414, %get3A_392 : vector<16xi1>, vector<16xf32>
        %mul3A_416 = arith.constant 16 : i32
        %mul3A_417 = arith.muli %scan3A_374, %mul3A_416 : i32
        %add3A_418 = arith.constant 20480 : i32
        %add3A_419 = arith.addi %add3A_418, %mul3A_417 : i32
        %swap3A_420 = arith.constant 1 : i32
        %swap3A_421 = arith.index_cast %swap3A_420 : i32 to index
        %swap3A_422 = arith.index_cast %add3A_419 : i32 to index
        %swap3A_423 = tpu.vector_load %arg5[%swap3A_421, %swap3A_422] {strides = array<i32>} : memref<2x40960xf32, #tpu.memory_space<vmem>>, vector<1x16xf32>,
        %swap3A_424 = vector.shape_cast %swap3A_423 : vector<1x16xf32> to vector<16xf32>
        %swap3A_425 = vector.shape_cast %select_n3A_415 : vector<16xf32> to vector<1x16xf32>
        tpu.vector_store %arg5[%swap3A_421, %swap3A_422], %swap3A_425 {strides = array<i32>} : memref<2x40960xf32, #tpu.memory_space<vmem>>, vector<1x16xf32>,
        %scan3A_426 = arith.constant 4 : i32
        %scan3A_427 = arith.addi %scan3A_221, %scan3A_426 : i32
        %mul3A_428 = arith.constant 16 : i32
        %mul3A_429 = arith.muli %scan3A_427, %mul3A_428 : i32
        %add3A_430 = arith.constant 12288 : i32
        %add3A_431 = arith.addi %add3A_430, %mul3A_429 : i32
        %get3A_432 = arith.constant 1 : i32
        %get3A_433 = arith.index_cast %get3A_432 : i32 to index
        %get3A_434 = arith.index_cast %add3A_431 : i32 to index
        %get3A_435 = tpu.vector_load %arg5[%get3A_433, %get3A_434] {strides = array<i32>} : memref<2x40960xf32, #tpu.memory_space<vmem>>, vector<1x16xf32>,
        %get3A_436 = vector.shape_cast %get3A_435 : vector<1x16xf32> to vector<16xf32>
        %mul3A_437 = arith.constant 16 : i32
        %mul3A_438 = arith.muli %scan3A_427, %mul3A_437 : i32
        %add3A_439 = arith.constant 20480 : i32
        %add3A_440 = arith.addi %add3A_439, %mul3A_438 : i32
        %get3A_441 = arith.constant 1 : i32
        %get3A_442 = arith.index_cast %get3A_441 : i32 to index
        %get3A_443 = arith.index_cast %add3A_440 : i32 to index
        %get3A_444 = tpu.vector_load %arg5[%get3A_442, %get3A_443] {strides = array<i32>} : memref<2x40960xf32, #tpu.memory_space<vmem>>, vector<1x16xf32>,
        %get3A_445 = vector.shape_cast %get3A_444 : vector<1x16xf32> to vector<16xf32>
        %gt3A_446 = arith.constant 5.000000e-01 : f32
        %gt3A_447 = vector.broadcast %gt3A_446 : f32 to vector<16xf32>
        %gt3A_448 = arith.cmpf ogt, %get3A_197, %gt3A_447 : vector<16xf32>
        %gt3A_449 = arith.constant 5.000000e-01 : f32
        %gt3A_450 = vector.broadcast %gt3A_449 : f32 to vector<16xf32>
        %gt3A_451 = arith.cmpf ogt, %get3A_436, %gt3A_450 : vector<16xf32>
        %and3A_452 = arith.andi %gt3A_448, %gt3A_451 : vector<16xi1>
        %jit3A_453 = arith.constant 0.000000e+00 : f32
        %broadcast_in_dim3A_454 = vector.broadcast %jit3A_453 : f32 to vector<16xf32>
        %select_n3A_455 = arith.select %and3A_452, %broadcast_in_dim3A_454, %get3A_436 : vector<16xi1>, vector<16xf32>
        %mul3A_456 = arith.constant 16 : i32
        %mul3A_457 = arith.muli %scan3A_427, %mul3A_456 : i32
        %add3A_458 = arith.constant 12288 : i32
        %add3A_459 = arith.addi %add3A_458, %mul3A_457 : i32
        %swap3A_460 = arith.constant 1 : i32
        %swap3A_461 = arith.index_cast %swap3A_460 : i32 to index
        %swap3A_462 = arith.index_cast %add3A_459 : i32 to index
        %swap3A_463 = tpu.vector_load %arg5[%swap3A_461, %swap3A_462] {strides = array<i32>} : memref<2x40960xf32, #tpu.memory_space<vmem>>, vector<1x16xf32>,
        %swap3A_464 = vector.shape_cast %swap3A_463 : vector<1x16xf32> to vector<16xf32>
        %swap3A_465 = vector.shape_cast %select_n3A_455 : vector<16xf32> to vector<1x16xf32>
        tpu.vector_store %arg5[%swap3A_461, %swap3A_462], %swap3A_465 {strides = array<i32>} : memref<2x40960xf32, #tpu.memory_space<vmem>>, vector<1x16xf32>,
        %jit3A_466 = arith.constant 1.000000e+00 : f32
        %broadcast_in_dim3A_467 = vector.broadcast %jit3A_466 : f32 to vector<16xf32>
        %select_n3A_468 = arith.select %and3A_452, %broadcast_in_dim3A_467, %get3A_445 : vector<16xi1>, vector<16xf32>
        %mul3A_469 = arith.constant 16 : i32
        %mul3A_470 = arith.muli %scan3A_427, %mul3A_469 : i32
        %add3A_471 = arith.constant 20480 : i32
        %add3A_472 = arith.addi %add3A_471, %mul3A_470 : i32
        %swap3A_473 = arith.constant 1 : i32
        %swap3A_474 = arith.index_cast %swap3A_473 : i32 to index
        %swap3A_475 = arith.index_cast %add3A_472 : i32 to index
        %swap3A_476 = tpu.vector_load %arg5[%swap3A_474, %swap3A_475] {strides = array<i32>} : memref<2x40960xf32, #tpu.memory_space<vmem>>, vector<1x16xf32>,
        %swap3A_477 = vector.shape_cast %swap3A_476 : vector<1x16xf32> to vector<16xf32>
        %swap3A_478 = vector.shape_cast %select_n3A_468 : vector<16xf32> to vector<1x16xf32>
        tpu.vector_store %arg5[%swap3A_474, %swap3A_475], %swap3A_478 {strides = array<i32>} : memref<2x40960xf32, #tpu.memory_space<vmem>>, vector<1x16xf32>,
        %scan3A_479 = arith.constant 5 : i32
        %scan3A_480 = arith.addi %scan3A_221, %scan3A_479 : i32
        %mul3A_481 = arith.constant 16 : i32
        %mul3A_482 = arith.muli %scan3A_480, %mul3A_481 : i32
        %add3A_483 = arith.constant 12288 : i32
        %add3A_484 = arith.addi %add3A_483, %mul3A_482 : i32
        %get3A_485 = arith.constant 1 : i32
        %get3A_486 = arith.index_cast %get3A_485 : i32 to index
        %get3A_487 = arith.index_cast %add3A_484 : i32 to index
        %get3A_488 = tpu.vector_load %arg5[%get3A_486, %get3A_487] {strides = array<i32>} : memref<2x40960xf32, #tpu.memory_space<vmem>>, vector<1x16xf32>,
        %get3A_489 = vector.shape_cast %get3A_488 : vector<1x16xf32> to vector<16xf32>
        %mul3A_490 = arith.constant 16 : i32
        %mul3A_491 = arith.muli %scan3A_480, %mul3A_490 : i32
        %add3A_492 = arith.constant 20480 : i32
        %add3A_493 = arith.addi %add3A_492, %mul3A_491 : i32
        %get3A_494 = arith.constant 1 : i32
        %get3A_495 = arith.index_cast %get3A_494 : i32 to index
        %get3A_496 = arith.index_cast %add3A_493 : i32 to index
        %get3A_497 = tpu.vector_load %arg5[%get3A_495, %get3A_496] {strides = array<i32>} : memref<2x40960xf32, #tpu.memory_space<vmem>>, vector<1x16xf32>,
        %get3A_498 = vector.shape_cast %get3A_497 : vector<1x16xf32> to vector<16xf32>
        %gt3A_499 = arith.constant 5.000000e-01 : f32
        %gt3A_500 = vector.broadcast %gt3A_499 : f32 to vector<16xf32>
        %gt3A_501 = arith.cmpf ogt, %get3A_197, %gt3A_500 : vector<16xf32>
        %gt3A_502 = arith.constant 5.000000e-01 : f32
        %gt3A_503 = vector.broadcast %gt3A_502 : f32 to vector<16xf32>
        %gt3A_504 = arith.cmpf ogt, %get3A_489, %gt3A_503 : vector<16xf32>
        %and3A_505 = arith.andi %gt3A_501, %gt3A_504 : vector<16xi1>
        %jit3A_506 = arith.constant 0.000000e+00 : f32
        %broadcast_in_dim3A_507 = vector.broadcast %jit3A_506 : f32 to vector<16xf32>
        %select_n3A_508 = arith.select %and3A_505, %broadcast_in_dim3A_507, %get3A_489 : vector<16xi1>, vector<16xf32>
        %mul3A_509 = arith.constant 16 : i32
        %mul3A_510 = arith.muli %scan3A_480, %mul3A_509 : i32
        %add3A_511 = arith.constant 12288 : i32
        %add3A_512 = arith.addi %add3A_511, %mul3A_510 : i32
        %swap3A_513 = arith.constant 1 : i32
        %swap3A_514 = arith.index_cast %swap3A_513 : i32 to index
        %swap3A_515 = arith.index_cast %add3A_512 : i32 to index
        %swap3A_516 = tpu.vector_load %arg5[%swap3A_514, %swap3A_515] {strides = array<i32>} : memref<2x40960xf32, #tpu.memory_space<vmem>>, vector<1x16xf32>,
        %swap3A_517 = vector.shape_cast %swap3A_516 : vector<1x16xf32> to vector<16xf32>
        %swap3A_518 = vector.shape_cast %select_n3A_508 : vector<16xf32> to vector<1x16xf32>
        tpu.vector_store %arg5[%swap3A_514, %swap3A_515], %swap3A_518 {strides = array<i32>} : memref<2x40960xf32, #tpu.memory_space<vmem>>, vector<1x16xf32>,
        %jit3A_519 = arith.constant 1.000000e+00 : f32
        %broadcast_in_dim3A_520 = vector.broadcast %jit3A_519 : f32 to vector<16xf32>
        %select_n3A_521 = arith.select %and3A_505, %broadcast_in_dim3A_520, %get3A_498 : vector<16xi1>, vector<16xf32>
        %mul3A_522 = arith.constant 16 : i32
        %mul3A_523 = arith.muli %scan3A_480, %mul3A_522 : i32
        %add3A_524 = arith.constant 20480 : i32
        %add3A_525 = arith.addi %add3A_524, %mul3A_523 : i32
        %swap3A_526 = arith.constant 1 : i32
        %swap3A_527 = arith.index_cast %swap3A_526 : i32 to index
        %swap3A_528 = arith.index_cast %add3A_525 : i32 to index
        %swap3A_529 = tpu.vector_load %arg5[%swap3A_527, %swap3A_528] {strides = array<i32>} : memref<2x40960xf32, #tpu.memory_space<vmem>>, vector<1x16xf32>,
        %swap3A_530 = vector.shape_cast %swap3A_529 : vector<1x16xf32> to vector<16xf32>
        %swap3A_531 = vector.shape_cast %select_n3A_521 : vector<16xf32> to vector<1x16xf32>
        tpu.vector_store %arg5[%swap3A_527, %swap3A_528], %swap3A_531 {strides = array<i32>} : memref<2x40960xf32, #tpu.memory_space<vmem>>, vector<1x16xf32>,
        %scan3A_532 = arith.constant 6 : i32
        %scan3A_533 = arith.addi %scan3A_221, %scan3A_532 : i32
        %mul3A_534 = arith.constant 16 : i32
        %mul3A_535 = arith.muli %scan3A_533, %mul3A_534 : i32
        %add3A_536 = arith.constant 12288 : i32
        %add3A_537 = arith.addi %add3A_536, %mul3A_535 : i32
        %get3A_538 = arith.constant 1 : i32
        %get3A_539 = arith.index_cast %get3A_538 : i32 to index
        %get3A_540 = arith.index_cast %add3A_537 : i32 to index
        %get3A_541 = tpu.vector_load %arg5[%get3A_539, %get3A_540] {strides = array<i32>} : memref<2x40960xf32, #tpu.memory_space<vmem>>, vector<1x16xf32>,
        %get3A_542 = vector.shape_cast %get3A_541 : vector<1x16xf32> to vector<16xf32>
        %mul3A_543 = arith.constant 16 : i32
        %mul3A_544 = arith.muli %scan3A_533, %mul3A_543 : i32
        %add3A_545 = arith.constant 20480 : i32
        %add3A_546 = arith.addi %add3A_545, %mul3A_544 : i32
        %get3A_547 = arith.constant 1 : i32
        %get3A_548 = arith.index_cast %get3A_547 : i32 to index
        %get3A_549 = arith.index_cast %add3A_546 : i32 to index
        %get3A_550 = tpu.vector_load %arg5[%get3A_548, %get3A_549] {strides = array<i32>} : memref<2x40960xf32, #tpu.memory_space<vmem>>, vector<1x16xf32>,
        %get3A_551 = vector.shape_cast %get3A_550 : vector<1x16xf32> to vector<16xf32>
        %gt3A_552 = arith.constant 5.000000e-01 : f32
        %gt3A_553 = vector.broadcast %gt3A_552 : f32 to vector<16xf32>
        %gt3A_554 = arith.cmpf ogt, %get3A_197, %gt3A_553 : vector<16xf32>
        %gt3A_555 = arith.constant 5.000000e-01 : f32
        %gt3A_556 = vector.broadcast %gt3A_555 : f32 to vector<16xf32>
        %gt3A_557 = arith.cmpf ogt, %get3A_542, %gt3A_556 : vector<16xf32>
        %and3A_558 = arith.andi %gt3A_554, %gt3A_557 : vector<16xi1>
        %jit3A_559 = arith.constant 0.000000e+00 : f32
        %broadcast_in_dim3A_560 = vector.broadcast %jit3A_559 : f32 to vector<16xf32>
        %select_n3A_561 = arith.select %and3A_558, %broadcast_in_dim3A_560, %get3A_542 : vector<16xi1>, vector<16xf32>
        %mul3A_562 = arith.constant 16 : i32
        %mul3A_563 = arith.muli %scan3A_533, %mul3A_562 : i32
        %add3A_564 = arith.constant 12288 : i32
        %add3A_565 = arith.addi %add3A_564, %mul3A_563 : i32
        %swap3A_566 = arith.constant 1 : i32
        %swap3A_567 = arith.index_cast %swap3A_566 : i32 to index
        %swap3A_568 = arith.index_cast %add3A_565 : i32 to index
        %swap3A_569 = tpu.vector_load %arg5[%swap3A_567, %swap3A_568] {strides = array<i32>} : memref<2x40960xf32, #tpu.memory_space<vmem>>, vector<1x16xf32>,
        %swap3A_570 = vector.shape_cast %swap3A_569 : vector<1x16xf32> to vector<16xf32>
        %swap3A_571 = vector.shape_cast %select_n3A_561 : vector<16xf32> to vector<1x16xf32>
        tpu.vector_store %arg5[%swap3A_567, %swap3A_568], %swap3A_571 {strides = array<i32>} : memref<2x40960xf32, #tpu.memory_space<vmem>>, vector<1x16xf32>,
        %jit3A_572 = arith.constant 1.000000e+00 : f32
        %broadcast_in_dim3A_573 = vector.broadcast %jit3A_572 : f32 to vector<16xf32>
        %select_n3A_574 = arith.select %and3A_558, %broadcast_in_dim3A_573, %get3A_551 : vector<16xi1>, vector<16xf32>
        %mul3A_575 = arith.constant 16 : i32
        %mul3A_576 = arith.muli %scan3A_533, %mul3A_575 : i32
        %add3A_577 = arith.constant 20480 : i32
        %add3A_578 = arith.addi %add3A_577, %mul3A_576 : i32
        %swap3A_579 = arith.constant 1 : i32
        %swap3A_580 = arith.index_cast %swap3A_579 : i32 to index
        %swap3A_581 = arith.index_cast %add3A_578 : i32 to index
        %swap3A_582 = tpu.vector_load %arg5[%swap3A_580, %swap3A_581] {strides = array<i32>} : memref<2x40960xf32, #tpu.memory_space<vmem>>, vector<1x16xf32>,
        %swap3A_583 = vector.shape_cast %swap3A_582 : vector<1x16xf32> to vector<16xf32>
        %swap3A_584 = vector.shape_cast %select_n3A_574 : vector<16xf32> to vector<1x16xf32>
        tpu.vector_store %arg5[%swap3A_580, %swap3A_581], %swap3A_584 {strides = array<i32>} : memref<2x40960xf32, #tpu.memory_space<vmem>>, vector<1x16xf32>,
        %scan3A_585 = arith.constant 7 : i32
        %scan3A_586 = arith.addi %scan3A_221, %scan3A_585 : i32
        %mul3A_587 = arith.constant 16 : i32
        %mul3A_588 = arith.muli %scan3A_586, %mul3A_587 : i32
        %add3A_589 = arith.constant 12288 : i32
        %add3A_590 = arith.addi %add3A_589, %mul3A_588 : i32
        %get3A_591 = arith.constant 1 : i32
        %get3A_592 = arith.index_cast %get3A_591 : i32 to index
        %get3A_593 = arith.index_cast %add3A_590 : i32 to index
        %get3A_594 = tpu.vector_load %arg5[%get3A_592, %get3A_593] {strides = array<i32>} : memref<2x40960xf32, #tpu.memory_space<vmem>>, vector<1x16xf32>,
        %get3A_595 = vector.shape_cast %get3A_594 : vector<1x16xf32> to vector<16xf32>
        %mul3A_596 = arith.constant 16 : i32
        %mul3A_597 = arith.muli %scan3A_586, %mul3A_596 : i32
        %add3A_598 = arith.constant 20480 : i32
        %add3A_599 = arith.addi %add3A_598, %mul3A_597 : i32
        %get3A_600 = arith.constant 1 : i32
        %get3A_601 = arith.index_cast %get3A_600 : i32 to index
        %get3A_602 = arith.index_cast %add3A_599 : i32 to index
        %get3A_603 = tpu.vector_load %arg5[%get3A_601, %get3A_602] {strides = array<i32>} : memref<2x40960xf32, #tpu.memory_space<vmem>>, vector<1x16xf32>,
        %get3A_604 = vector.shape_cast %get3A_603 : vector<1x16xf32> to vector<16xf32>
        %gt3A_605 = arith.constant 5.000000e-01 : f32
        %gt3A_606 = vector.broadcast %gt3A_605 : f32 to vector<16xf32>
        %gt3A_607 = arith.cmpf ogt, %get3A_197, %gt3A_606 : vector<16xf32>
        %gt3A_608 = arith.constant 5.000000e-01 : f32
        %gt3A_609 = vector.broadcast %gt3A_608 : f32 to vector<16xf32>
        %gt3A_610 = arith.cmpf ogt, %get3A_595, %gt3A_609 : vector<16xf32>
        %and3A_611 = arith.andi %gt3A_607, %gt3A_610 : vector<16xi1>
        %jit3A_612 = arith.constant 0.000000e+00 : f32
        %broadcast_in_dim3A_613 = vector.broadcast %jit3A_612 : f32 to vector<16xf32>
        %select_n3A_614 = arith.select %and3A_611, %broadcast_in_dim3A_613, %get3A_595 : vector<16xi1>, vector<16xf32>
        %mul3A_615 = arith.constant 16 : i32
        %mul3A_616 = arith.muli %scan3A_586, %mul3A_615 : i32
        %add3A_617 = arith.constant 12288 : i32
        %add3A_618 = arith.addi %add3A_617, %mul3A_616 : i32
        %swap3A_619 = arith.constant 1 : i32
        %swap3A_620 = arith.index_cast %swap3A_619 : i32 to index
        %swap3A_621 = arith.index_cast %add3A_618 : i32 to index
        %swap3A_622 = tpu.vector_load %arg5[%swap3A_620, %swap3A_621] {strides = array<i32>} : memref<2x40960xf32, #tpu.memory_space<vmem>>, vector<1x16xf32>,
        %swap3A_623 = vector.shape_cast %swap3A_622 : vector<1x16xf32> to vector<16xf32>
        %swap3A_624 = vector.shape_cast %select_n3A_614 : vector<16xf32> to vector<1x16xf32>
        tpu.vector_store %arg5[%swap3A_620, %swap3A_621], %swap3A_624 {strides = array<i32>} : memref<2x40960xf32, #tpu.memory_space<vmem>>, vector<1x16xf32>,
        %jit3A_625 = arith.constant 1.000000e+00 : f32
        %broadcast_in_dim3A_626 = vector.broadcast %jit3A_625 : f32 to vector<16xf32>
        %select_n3A_627 = arith.select %and3A_611, %broadcast_in_dim3A_626, %get3A_604 : vector<16xi1>, vector<16xf32>
        %mul3A_628 = arith.constant 16 : i32
        %mul3A_629 = arith.muli %scan3A_586, %mul3A_628 : i32
        %add3A_630 = arith.constant 20480 : i32
        %add3A_631 = arith.addi %add3A_630, %mul3A_629 : i32
        %swap3A_632 = arith.constant 1 : i32
        %swap3A_633 = arith.index_cast %swap3A_632 : i32 to index
        %swap3A_634 = arith.index_cast %add3A_631 : i32 to index
        %swap3A_635 = tpu.vector_load %arg5[%swap3A_633, %swap3A_634] {strides = array<i32>} : memref<2x40960xf32, #tpu.memory_space<vmem>>, vector<1x16xf32>,
        %swap3A_636 = vector.shape_cast %swap3A_635 : vector<1x16xf32> to vector<16xf32>
        %swap3A_637 = vector.shape_cast %select_n3A_627 : vector<16xf32> to vector<1x16xf32>
        tpu.vector_store %arg5[%swap3A_633, %swap3A_634], %swap3A_637 {strides = array<i32>} : memref<2x40960xf32, #tpu.memory_space<vmem>>, vector<1x16xf32>,
      }
      %scan3A_203 = arith.constant 256 : i32
      %add3A_204 = arith.addi %mul3A_2, %add3A_151 : i32
      %dma_start3A_205 = arith.constant 1 : i32
      %dma_start3A_206 = arith.constant 1 : i32
      %dma_start3A_207 = arith.constant 0 : i32
      %dma_start3A_208 = tpu.memref_slice %arg5[%dma_start3A_205, %dma_start3A_207] : memref<2x40960xf32, #tpu.memory_space<vmem>> -> memref<1x40960xf32, #tpu.memory_space<vmem>>
      %dma_start3A_209 = tpu.memref_squeeze %dma_start3A_208 : memref<1x40960xf32, #tpu.memory_space<vmem>> -> memref<40960xf32, #tpu.memory_space<vmem>>
      %dma_start3A_210 = arith.constant 0 : i32
      %dma_start3A_211 = tpu.memref_slice %arg4[%add3A_204, %dma_start3A_210] : memref<1024x40960xf32, #tpu.memory_space<hbm>> -> memref<1x40960xf32, #tpu.memory_space<hbm>>
      %dma_start3A_212 = tpu.memref_squeeze %dma_start3A_211 : memref<1x40960xf32, #tpu.memory_space<hbm>> -> memref<40960xf32, #tpu.memory_space<hbm>>
      %dma_start3A_213 = tpu.memref_slice %arg9[%dma_start3A_206] : memref<2x!tpu.dma_semaphore, #tpu.memory_space<semaphore_mem>> -> memref<1x!tpu.dma_semaphore, #tpu.memory_space<semaphore_mem>>
      %dma_start3A_214 = tpu.memref_squeeze %dma_start3A_213 : memref<1x!tpu.dma_semaphore, #tpu.memory_space<semaphore_mem>> -> memref<!tpu.dma_semaphore, #tpu.memory_space<semaphore_mem>>
      %dma_start3A_215 = arith.constant 0 : i32
      %dma_start3A_216 = tpu.memref_slice %arg4[%add3A_204, %dma_start3A_215] : memref<1024x40960xf32, #tpu.memory_space<hbm>> -> memref<1x40960xf32, #tpu.memory_space<hbm>>
      %dma_start3A_217 = tpu.memref_squeeze %dma_start3A_216 : memref<1x40960xf32, #tpu.memory_space<hbm>> -> memref<40960xf32, #tpu.memory_space<hbm>>
      %dma_start3A_218 = arith.constant 0 : i32
      %dma_start3A_219 = tpu.memref_slice %arg5[%dma_start3A_205, %dma_start3A_218] : memref<2x40960xf32, #tpu.memory_space<vmem>> -> memref<1x40960xf32, #tpu.memory_space<vmem>>
      %dma_start3A_220 = tpu.memref_squeeze %dma_start3A_219 : memref<1x40960xf32, #tpu.memory_space<vmem>> -> memref<40960xf32, #tpu.memory_space<vmem>>
      tpu.enqueue_dma source(%dma_start3A_220 : memref<40960xf32, #tpu.memory_space<vmem>>) target(%dma_start3A_217 : memref<40960xf32, #tpu.memory_space<hbm>>) target_semaphore(%dma_start3A_214 : memref<!tpu.dma_semaphore, #tpu.memory_space<semaphore_mem>>)
    }
    %scan3A_42 = arith.constant 16 : i32
    %add3A_43 = arith.constant 30 : i32
    %add3A_44 = arith.addi %mul3A_2, %add3A_43 : i32
    %dma_wait3A = arith.constant 0 : i32
    %dma_wait3A_45 = arith.constant 0 : i32
    %dma_wait3A_46 = arith.constant 0 : i32
    %dma_wait3A_47 = tpu.memref_slice %arg5[%dma_wait3A, %dma_wait3A_46] : memref<2x40960xf32, #tpu.memory_space<vmem>> -> memref<1x40960xf32, #tpu.memory_space<vmem>>
    %dma_wait3A_48 = tpu.memref_squeeze %dma_wait3A_47 : memref<1x40960xf32, #tpu.memory_space<vmem>> -> memref<40960xf32, #tpu.memory_space<vmem>>
    %dma_wait3A_49 = arith.constant 0 : i32
    %dma_wait3A_50 = tpu.memref_slice %arg4[%add3A_44, %dma_wait3A_49] : memref<1024x40960xf32, #tpu.memory_space<hbm>> -> memref<1x40960xf32, #tpu.memory_space<hbm>>
    %dma_wait3A_51 = tpu.memref_squeeze %dma_wait3A_50 : memref<1x40960xf32, #tpu.memory_space<hbm>> -> memref<40960xf32, #tpu.memory_space<hbm>>
    %dma_wait3A_52 = tpu.memref_slice %arg9[%dma_wait3A_45] : memref<2x!tpu.dma_semaphore, #tpu.memory_space<semaphore_mem>> -> memref<1x!tpu.dma_semaphore, #tpu.memory_space<semaphore_mem>>
    %dma_wait3A_53 = tpu.memref_squeeze %dma_wait3A_52 : memref<1x!tpu.dma_semaphore, #tpu.memory_space<semaphore_mem>> -> memref<!tpu.dma_semaphore, #tpu.memory_space<semaphore_mem>>
    %dma_wait3A_54 = arith.constant 0 : i32
    %dma_wait3A_55 = tpu.memref_slice %arg4[%add3A_44, %dma_wait3A_54] : memref<1024x40960xf32, #tpu.memory_space<hbm>> -> memref<1x40960xf32, #tpu.memory_space<hbm>>
    %dma_wait3A_56 = tpu.memref_squeeze %dma_wait3A_55 : memref<1x40960xf32, #tpu.memory_space<hbm>> -> memref<40960xf32, #tpu.memory_space<hbm>>
    %dma_wait3A_57 = arith.constant 0 : i32
    %dma_wait3A_58 = tpu.memref_slice %arg5[%dma_wait3A, %dma_wait3A_57] : memref<2x40960xf32, #tpu.memory_space<vmem>> -> memref<1x40960xf32, #tpu.memory_space<vmem>>
    %dma_wait3A_59 = tpu.memref_squeeze %dma_wait3A_58 : memref<1x40960xf32, #tpu.memory_space<vmem>> -> memref<40960xf32, #tpu.memory_space<vmem>>
    tpu.wait_dma2 semaphore(%dma_wait3A_53 : memref<!tpu.dma_semaphore, #tpu.memory_space<semaphore_mem>>) src(%dma_wait3A_59 : memref<40960xf32, #tpu.memory_space<vmem>>) dst(%dma_wait3A_56 : memref<40960xf32, #tpu.memory_space<hbm>>)
    %add3A_60 = arith.constant 31 : i32
    %add3A_61 = arith.addi %mul3A_2, %add3A_60 : i32
    %dma_wait3A_62 = arith.constant 1 : i32
    %dma_wait3A_63 = arith.constant 1 : i32
    %dma_wait3A_64 = arith.constant 0 : i32
    %dma_wait3A_65 = tpu.memref_slice %arg5[%dma_wait3A_62, %dma_wait3A_64] : memref<2x40960xf32, #tpu.memory_space<vmem>> -> memref<1x40960xf32, #tpu.memory_space<vmem>>
    %dma_wait3A_66 = tpu.memref_squeeze %dma_wait3A_65 : memref<1x40960xf32, #tpu.memory_space<vmem>> -> memref<40960xf32, #tpu.memory_space<vmem>>
    %dma_wait3A_67 = arith.constant 0 : i32
    %dma_wait3A_68 = tpu.memref_slice %arg4[%add3A_61, %dma_wait3A_67] : memref<1024x40960xf32, #tpu.memory_space<hbm>> -> memref<1x40960xf32, #tpu.memory_space<hbm>>
    %dma_wait3A_69 = tpu.memref_squeeze %dma_wait3A_68 : memref<1x40960xf32, #tpu.memory_space<hbm>> -> memref<40960xf32, #tpu.memory_space<hbm>>
    %dma_wait3A_70 = tpu.memref_slice %arg9[%dma_wait3A_63] : memref<2x!tpu.dma_semaphore, #tpu.memory_space<semaphore_mem>> -> memref<1x!tpu.dma_semaphore, #tpu.memory_space<semaphore_mem>>
    %dma_wait3A_71 = tpu.memref_squeeze %dma_wait3A_70 : memref<1x!tpu.dma_semaphore, #tpu.memory_space<semaphore_mem>> -> memref<!tpu.dma_semaphore, #tpu.memory_space<semaphore_mem>>
    %dma_wait3A_72 = arith.constant 0 : i32
    %dma_wait3A_73 = tpu.memref_slice %arg4[%add3A_61, %dma_wait3A_72] : memref<1024x40960xf32, #tpu.memory_space<hbm>> -> memref<1x40960xf32, #tpu.memory_space<hbm>>
    %dma_wait3A_74 = tpu.memref_squeeze %dma_wait3A_73 : memref<1x40960xf32, #tpu.memory_space<hbm>> -> memref<40960xf32, #tpu.memory_space<hbm>>
    %dma_wait3A_75 = arith.constant 0 : i32
    %dma_wait3A_76 = tpu.memref_slice %arg5[%dma_wait3A_62, %dma_wait3A_75] : memref<2x40960xf32, #tpu.memory_space<vmem>> -> memref<1x40960xf32, #tpu.memory_space<vmem>>
    %dma_wait3A_77 = tpu.memref_squeeze %dma_wait3A_76 : memref<1x40960xf32, #tpu.memory_space<vmem>> -> memref<40960xf32, #tpu.memory_space<vmem>>
    tpu.wait_dma2 semaphore(%dma_wait3A_71 : memref<!tpu.dma_semaphore, #tpu.memory_space<semaphore_mem>>) src(%dma_wait3A_77 : memref<40960xf32, #tpu.memory_space<vmem>>) dst(%dma_wait3A_74 : memref<40960xf32, #tpu.memory_space<hbm>>)
    return
  }
}

module attributes {stable_mosaic.version = 14 : i64} {
  func.func @_counts_body(%arg0: i32, %arg1: memref<1xi32, #tpu.memory_space<smem>>, %arg2: memref<1xi32, #tpu.memory_space<smem>>, %arg3: memref<1xi32, #tpu.memory_space<smem>>, %arg4: memref<16x1x32x128xf32, #tpu.memory_space<vmem>>, %arg5: memref<16x128xf32, #tpu.memory_space<vmem>>) attributes {dimension_semantics = [#tpu.dimension_semantics<arbitrary>], iteration_bounds = array<i64: 64>, scalar_prefetch = 3 : i64, scratch_operands = 0 : i64, tpu.core_type = #tpu.core_type<tc>, window_params = [{transform_indices = @transform_0, window_bounds = array<i64: 16, 1, 32, 128>}, {transform_indices = @transform_1, window_bounds = array<i64: 16, 128>}]} {
    %get3A = arith.constant 0 : index
    %get3A_0 = arith.constant 0 : index
    %get3A_1 = arith.constant 0 : index
    %get3A_2 = arith.constant 0 : index
    %get3A_3 = vector.load %arg4[%get3A, %get3A_0, %get3A_1, %get3A_2] : memref<16x1x32x128xf32, #tpu.memory_space<vmem>>, vector<16x1x32x128xf32>
    %reduce_sum3A = arith.constant dense<0.000000e+00> : vector<16xf32>
    %reduce_sum3A_4 = vector.multi_reduction <add>, %get3A_3, %reduce_sum3A [1, 2, 3] : vector<16x1x32x128xf32> to vector<16xf32>
    %convert_element_type3A = arith.fptosi %reduce_sum3A_4 : vector<16xf32> to vector<16xi32>
    %get3A_5 = arith.constant 0 : index
    %get3A_6 = memref.load %arg3[%get3A_5] : memref<1xi32, #tpu.memory_space<smem>>
    %eq3A = vector.broadcast %get3A_6 : i32 to vector<16xi32>
    %eq3A_7 = arith.cmpi eq, %convert_element_type3A, %eq3A : vector<16xi32>
    %jit3A = arith.constant 1.000000e+00 : f32
    %jit3A_8 = arith.constant 0.000000e+00 : f32
    %broadcast_in_dim3A = vector.broadcast %jit3A : f32 to vector<16xf32>
    %broadcast_in_dim3A_9 = vector.broadcast %jit3A_8 : f32 to vector<16xf32>
    %select_n3A = arith.select %eq3A_7, %broadcast_in_dim3A, %broadcast_in_dim3A_9 : vector<16xi1>, vector<16xf32>
    %broadcast_in_dim3A_10 = vector.shape_cast %select_n3A : vector<16xf32> to vector<16x1xf32>
    %broadcast_in_dim3A_11 = vector.shape_cast %broadcast_in_dim3A_10 : vector<16x1xf32> to vector<16x1xf32>
    %broadcast_in_dim3A_12 = vector.broadcast %broadcast_in_dim3A_11 : vector<16x1xf32> to vector<16x128xf32>
    %swap3A = arith.constant 0 : index
    %swap3A_13 = arith.constant 0 : index
    %swap3A_14 = vector.load %arg5[%swap3A, %swap3A_13] : memref<16x128xf32, #tpu.memory_space<vmem>>, vector<16x128xf32>
    tpu.vector_store %arg5[%swap3A, %swap3A_13], %broadcast_in_dim3A_12 {strides = array<i32>} : memref<16x128xf32, #tpu.memory_space<vmem>>, vector<16x128xf32>,
    return
  }
  func.func @transform_0(%arg0: i32, %arg1: memref<1xi32, #tpu.memory_space<smem>>, %arg2: memref<1xi32, #tpu.memory_space<smem>>, %arg3: memref<1xi32, #tpu.memory_space<smem>>) -> (i32, i32, i32, i32) {
    %get3A = arith.constant 0 : index
    %get3A_0 = memref.load %arg1[%get3A] : memref<1xi32, #tpu.memory_space<smem>>
    %c0_i32 = arith.constant 0 : i32
    %c0_i32_1 = arith.constant 0 : i32
    %c0_i32_2 = arith.constant 0 : i32
    return %arg0, %get3A_0, %c0_i32, %c0_i32_1 : i32, i32, i32, i32
  }
  func.func @transform_1(%arg0: i32, %arg1: memref<1xi32, #tpu.memory_space<smem>>, %arg2: memref<1xi32, #tpu.memory_space<smem>>, %arg3: memref<1xi32, #tpu.memory_space<smem>>) -> (i32, i32) {
    %c0_i32 = arith.constant 0 : i32
    %c0_i32_0 = arith.constant 0 : i32
    return %arg0, %c0_i32 : i32, i32
  }
}

</mosaic_0001>

<sc_bundles>
// kernel: kernel.4.cloned.1.call-start
scs
__scs_entry_jumppad:
0x0: {  	(pc) =	sbr.rel $0x88, $3  }
0x1: {  	(tag) =	ssettag $0x0;
	lr =	simm.s32 $0x1  }
0x2: {  	[smem:$0x3F9D] =	sst lr;
	_ =	strace $0xD0000000  }
0x3: {  	_ = 	snop  }
0x4: {  	_ = 	snop  }
0x5: {  	_ = 	snop  }
0x6: {  	_ = 	snop  }
0x7: {  	_ = 	snop  }
__scs_overlays_trampoline_lowered:
0x8: {  	[smem:$0x3FAC] =	sst s0  }
0x9: {  	[smem:$0x3FAD] =	sst s1  }
0xa: {  	[smem:$0x3FAE] =	sst s2  }
0xb: {  	[smem:$0x3FAF] =	sst s3  }
0xc: {  	[smem:$0x3FB0] =	sst s4  }
0xd: {  	[smem:$0x3FB1] =	sst s5  }
0xe: {  	[smem:$0x3FB2] =	sst s6  }
0xf: {  	[smem:$0x3FB3] =	sst s7  }
0x10: {  	[smem:$0x3FB4] =	sst s8  }
0x11: {  	[smem:$0x3FB5] =	sst s9;
	s0 =	simm.s32 @!p0 $0x0  }
0x12: {  	s1 =	sld [smem:$0x3F9B];
	s0 =	simm.s32 @p0 $0x1  }
0x13: {  	[smem:$0x3FB6] =	sst s0;
	s0 =	simm.s32 @!p1 $0x0  }
0x14: {  	s2 =	sld [smem:$0x3F9A];
	s0 =	simm.s32 @p1 $0x1  }
0x15: {  	[smem:$0x3FB7] =	sst s0;
	s0 =	simm.s32 @!p2 $0x0  }
0x16: {  	s3 =	sld [smem:$0x3FDB];
	s0 =	simm.s32 @p2 $0x1  }
0x17: {  	s4 =	simm.s32 $0x1BF5;
	[smem:$0x3FB9] =	sst s0  }
0x18: {  	s0 =	sld [smem:$0x3F9C];
	_ =	swait.ge [sflag:s4], $0x0  }
0x19: {  	s7 =	sld [smem:$0x3F9D]  }
0x1a: {  	s8 =	sadd.s32 $0xFFFFE003, lr  }
0x1b: {  	s9 =	sadd.s32 $0xFFFFFEF7, lr;
	s5 =	simm.s32 $0xFFFFFFFF;
	p2 =	slt.u32 s8, $0xFFFFF086  }
0x1c: {  	p1 =	slt.u32 s9, $0xF7A;
	s5 =	simm.s32 @!p2 $0x0  }
0x1d: {  	s5 =	simm.s32 @p1 $0x1;
	p0 =	seq.s32 s7, s2  }
0x1e: {  	s7 =	smul.u32 @!p0 $0xF7A, s2;
	p2 =	seq.s32 @!p0 s5, $0x0  }
0x1f: {  	s9 =	smul.u32 $0xF7A, s1;
	s8 =	simm.s32 @!p0 $0x1BF5;
	p2 =	por !p2, p0  }
0x20: {  	[sflag:s8] =	ssyncset.s32 @!p0 $0xFFFFF086;
	s6 =	sadd.s32 @!p0 s3, s7;
	s7 =	simm.s32 @!p0 $0x108  }
0x21: {  	s3 =	sadd.s32 s3, s9;
	s6 =	sadd.s32 @!p0 $0x88, s6;
	s7 =	simm.s32 @p2 $0x1082  }
0x22: {  	[simem:s7], [sflag:s8] =	dma.local @!p0 [hbm:s6], $0xF7A  }
0x23: {  	s9 =	sor.u32 $0xD0000000, s2;
	s6 =	simm.s32 $0x108;
	_ =	swait.ge @!p0 [sflag:s8], $0x0  }
0x24: {  	s3 =	sadd.s32 $0x88, s3;
	s6 =	simm.s32 @!p1 $0x1082;
	[sflag:s4] =	ssyncset.s32 $0xFFFFF086  }
0x25: {  	[simem:s6], [sflag:s4] =	dma.local [hbm:s3], $0xF7A  }
0x26: {  	[smem:$0x3F9D] =	sst s1;
	(tag) =	ssettag s2;
	_ =	strace s9  }
0x27: {  	s1 =	sld [smem:$0x3FAD]  }
0x28: {  	s2 =	sld [smem:$0x3FAE]  }
0x29: {  	s4 =	sld [smem:$0x3FB0]  }
0x2a: {  	p0 =	seq.s32 s5, $0x0;
	s5 =	sld [smem:$0x3FB1]  }
0x2b: {  	s6 =	sld [smem:$0x3FB2]  }
0x2c: {  	s7 =	sld [smem:$0x3FB3]  }
0x2d: {  	s3 =	simm.s32 $0x108;
	s8 =	sld [smem:$0x3FB4]  }
0x2e: {  	s3 =	simm.s32 @!p0 $0x1082;
	s9 =	sld [smem:$0x3FB5]  }
0x2f: {  	lr =	sadd.s32 s0, s3;
	s0 =	sld [smem:$0x3FAC]  }
0x30: {  	s3 =	sld [smem:$0x3FAF]  }
0x31: {  	[smem:$0x3FB8] =	sst s10  }
0x32: {  	s10 =	sld [smem:$0x3FB6];
	_ =	sdelay $0x3  }
0x33: {  	p0 =	seq.s32 s10, $0x1;
	s10 =	sld [smem:$0x3FB8];
	_ =	sdelay $0x3  }
0x34: {  	[smem:$0x3FB8] =	sst s10  }
0x35: {  	s10 =	sld [smem:$0x3FB7];
	_ =	sdelay $0x3  }
0x36: {  	p1 =	seq.s32 s10, $0x1;
	s10 =	sld [smem:$0x3FB8];
	_ =	sdelay $0x3  }
0x37: {  	[smem:$0x3FB8] =	sst s10  }
0x38: {  	s10 =	sld [smem:$0x3FB9]  }
0x39: {  	_ = 	snop;
	(pc) =	sbr.ind lr, $3  }
0x3a: {  	_ = 	snop  }
0x3b: {  	_ = 	snop  }
0x3c: {  	p2 =	seq.s32 s10, $0x1;
	s10 =	sld [smem:$0x3FB8]  }
0x3d: {  	_ =	shalt  }
0x3e: {  	_ =	shalt  }
0x3f: {  	_ =	shalt  }
0x40: {  	_ =	shalt  }
0x41: {  	_ =	shalt  }
0x42: {  	_ =	shalt  }
0x43: {  	_ =	shalt  }
0x44: {  	_ =	shalt  }
0x45: {  	_ =	shalt  }
0x46: {  	_ =	shalt  }
0x47: {  	_ =	shalt  }
0x48: {  	_ =	shalt  }
0x49: {  	_ =	shalt  }
0x4a: {  	_ =	shalt  }
0x4b: {  	_ =	shalt  }
0x4c: {  	_ =	shalt  }
0x4d: {  	_ =	shalt  }
0x4e: {  	_ =	shalt  }
0x4f: {  	_ =	shalt  }
0x50: {  	_ =	shalt  }
0x51: {  	_ =	shalt  }
0x52: {  	_ =	shalt  }
0x53: {  	_ =	shalt  }
0x54: {  	_ =	shalt  }
0x55: {  	_ =	shalt  }
0x56: {  	_ =	shalt  }
0x57: {  	_ =	shalt  }
0x58: {  	_ =	shalt  }
0x59: {  	_ =	shalt  }
0x5a: {  	_ =	shalt  }
0x5b: {  	_ =	shalt  }
0x5c: {  	_ =	shalt  }
0x5d: {  	_ =	shalt  }
0x5e: {  	_ =	shalt  }
0x5f: {  	_ =	shalt  }
0x60: {  	_ =	shalt  }
0x61: {  	_ =	shalt  }
0x62: {  	_ =	shalt  }
0x63: {  	_ =	shalt  }
0x64: {  	_ =	shalt  }
0x65: {  	_ =	shalt  }
0x66: {  	_ =	shalt  }
0x67: {  	_ =	shalt  }
0x68: {  	_ =	shalt  }
0x69: {  	_ =	shalt  }
0x6a: {  	_ =	shalt  }
0x6b: {  	_ =	shalt  }
0x6c: {  	_ =	shalt  }
0x6d: {  	_ =	shalt  }
0x6e: {  	_ =	shalt  }
0x6f: {  	_ =	shalt  }
0x70: {  	_ =	shalt  }
0x71: {  	_ =	shalt  }
0x72: {  	_ =	shalt  }
0x73: {  	_ =	shalt  }
0x74: {  	_ =	shalt  }
0x75: {  	_ =	shalt  }
0x76: {  	_ =	shalt  }
0x77: {  	_ =	shalt  }
0x78: {  	_ =	shalt  }
0x79: {  	_ =	shalt  }
0x7a: {  	_ =	shalt  }
0x7b: {  	_ =	shalt  }
0x7c: {  	_ =	shalt  }
0x7d: {  	_ =	shalt  }
0x7e: {  	_ =	shalt  }
0x7f: {  	_ =	shalt  }
0x80: {  	_ =	shalt  }
0x81: {  	_ =	shalt  }
0x82: {  	_ =	shalt  }
0x83: {  	_ =	shalt  }
0x84: {  	_ =	shalt  }
0x85: {  	_ =	shalt  }
0x86: {  	_ =	shalt  }
0x87: {  	_ =	shalt  }
.Lfunc_end0:
.L_simem_size_0:
called_computation_lowered:
.L_overlay_start_0:
0x88: {  	s2 =	sld [smem:$0x3FD9]  }
0x89: {  	s3 =	sld [smem:$0x3FFE];
	_ =	sdelay $0x1  }
0x8a: {  	s1 =	srdreg.scid  }
0x8b: {  	s0 =	sand.u32 $0x1, s1  }
0x8c: {  	s17 =	sshll.u32 s0, $0xA;
	s2 =	sadd.s32 s3, s2  }
0x8d: {  	s2 =	sadd.s32 s2, s17  }
0x8e: {  	[smem:$0x3FC4] =	sst s2  }
0x8f: {  	_ = 	snop  }
0x90: {  	s2 =	sld [smem:$0x3FD0];
	(tm) =	ssettm $0x1  }
0x91: {  	s18 =	sld [smem:$0x3FFB];
	_ =	sdelay $0x3  }
0x92: {  	_ =	strace s18  }
0x93: {  	s3 =	sld [smem:$0x3FFC];
	_ =	sdelay $0x3  }
0x94: {  	_ =	strace s3  }
0x95: {  	s3 =	sld [smem:$0x3FFD];
	_ =	sdelay $0x3  }
0x96: {  	_ =	strace s3  }
0x97: {  	_ =	strace $0x8FFFFFFF  }
0x98: {  	s19 =	sld [smem:$0x3FDB];
	_ =	sdelay $0x1  }
0x99: {  	s4 =	simm.s32 $_scs_section_size  }
0x9a: {  	s5 =	simm.s32 $_size__tile_overlayer_lowered;
	s6 =	simm.s32 $_tile_overlayer_lowered  }
0x9b: {  	s22 =	simm.s32 $0x1BFF;
	s21 =	sshll.u32 s6, $0x1;
	s3 =	sadd.s32 s4, s19  }
0x9c: {  	s7 =	simm.s32 $0x0;
	s20 =	sshll.u32 s5, $0x1;
	s5 =	sadd.s32 s21, s3  }
0x9d: {  	[timem:s7], [sflag:s22] =	dma.local [hbm:s5], s20  }
0x9e: {  	_ =	swait.ge [sflag:s22], s20  }
0x9f: {  	s4 =	ssub.s32 $0x0, s20;
	[sflag:s22] =	ssyncset.done $0x0  }
0xa0: {  	[sflag:s22] =	ssyncadd.s32 s4;
	_ =	sdelay $0x1  }
0xa1: {  	s23 =	simm.s32 $0x1B8B  }
0xa2: {  	_ =	swait.ge [sflag:s23], $0x1  }
0xa3: {  	[sflag:s23] =	ssyncset.done $0x0  }
0xa4: {  	s25 =	simm.s32 $0x1B8E;
	s24 =	sld [smem:$0x3FFE];
	[sflag:s23] =	ssyncadd.s32 $0xFFFFFFFF  }
0xa5: {  	s26 =	simm.s32 $execute0_lowered;
	[smem:$0x3FD2] =	sst s25  }
0xa6: {  	s5 =	sshll.u32 s26, $0x1;
	_ =	strace $0x80000046;
	[dreg:$0x1] =	wrdreg $0xFFFFFFFF  }
0xa7: {  	s28 =	simm.s32 $_size_execute0_lowered;
	s3 =	sadd.s32 s3, s5;
	[dreg:$0x0] =	wrdreg $0x0  }
0xa8: {  	s5 =	sshll.u32 s28, $0x1;
	[dreg:$0x2] =	wrdreg s3  }
0xa9: {  	[dreg:$0x3] =	wrdreg s5  }
0xaa: {  	[dreg:$0x4] =	wrdreg $0xC0  }
0xab: {  	_ =	task [dreg:s7], $0x5FFFF  }
0xac: {  	[dreg:$0x1] =	wrdreg $0xFFFFFFFF  }
0xad: {  	[dreg:$0x0] =	wrdreg $0x60  }
0xae: {  	[dreg:$0x2] =	wrdreg s2  }
0xaf: {  	[dreg:$0x3] =	wrdreg s24  }
0xb0: {  	[dreg:$0x4] =	wrdreg $0x9  }
0xb1: {  	_ =	task.clear_ibuf [dreg:s7], $0x5FFFF;
	_ =	strace $0x90000046  }
0xb2: {  	s29 =	simm.s32 $0x9;
	_ =	strace $0x80000048  }
0xb3: {  	_ =	swait.ge [sflag:s29], $0x1  }
0xb4: {  	[sflag:s29] =	ssyncadd.s32 $0xFFFFFFFF  }
0xb5: {  	_ =	strace $0x90000048  }
0xb6: {  	_ =	sfence  }
0xb7: {  	s30 =	sld [smem:$0x0];
	_ =	sdelay $0x2  }
0xb8: {  	s31 =	sshll.u32 s1, $0xD;
	s1 =	sshrl.u32 s1, $0x2  }
0xb9: {  	s3 =	sand.u32 $0x4000, s31;
	s1 =	sadd.s32 s1, s30  }
0xba: {  	s0 =	sor.u32 s3, s0;
	s1 =	sshll.u32 s1, $0x11  }
0xbb: {  	s0 =	sor.u32 s1, s0  }
0xbc: {  	s0 =	sadd.s32 $0x8F2B, s0  }
0xbd: {  	[sflag:s0] =	ssyncadd.remote.s32 $0x1  }
0xbe: {  	_ =	sfence.sel $0xFFFF  }
0xbf: {  	[dreg:$0x0] =	wrdreg $0xFFFFFFFF;
	(pc) =	sbr.abs _section_cstart, $3  }
0xc0: {  	[dreg:$0x1] =	wrdreg $0xFFFFFFFF  }
0xc1: {  	_ =	task.clear_ibuf [dreg:s7], $0x2FFFF;
	_ =	strace $0x9FFFFFFF  }
0xc2: {  	(tm) =	ssettm $0x7FFFFFFF  }
0xc3: {  	_ =	shalt  }
tec
execute0_lowered:
.L_overlay_start_1:
0x0: {  	(tag) =	ssettag $0x1  }
0x1: {  	s2 =	rddreg [dreg:$0x0]  }
0x2: {  	s6 =	rddreg [dreg:$0x1];
	s3 =	srdreg.scid  }
0x3: {  	s0 =	rddreg [dreg:$0x2];
	s1 =	stileid.u32  }
0x4: {  	s11 =	simm.s32 $0x14080;
	s12 =	simm.s32 $0x1;
	s13 =	simm.s32 $0x3  }
0x5: {  	s14 =	simm.s32 $0x2;
	s15 =	simm.s32 $0x4;
	s16 =	simm.s32 $0x5  }
0x6: {  	s17 =	simm.s32 $0x6;
	s18 =	simm.s32 $0x0;
	s5 =	sand.u32 $0x1, s3  }
0x7: {  	s3 =	simm.s32 $0x0;
	s4 =	sshll.u32 s1, $0x6;
	s7 =	sshll.u32 s5, $0x5  }
0x8: {  	[smem:$0x7FF] =	sst s3;
	s31 =	ssub.s32 $0x2, s5;
	s4 =	sor.u32 s7, s4  }
0x9: {  	s5 =	sadd.s32 $0x600, s6;
	s9 =	sshrl.u32 s31, $0x1;
	s8 =	sshrl.u32 s4, $0x3  }
0xa: {  	s6 =	sadd.s32 $0x4600, s6;
	s9 =	ssub.s32 s31, s9;
	s8 =	smul.u32 $0xA000, s8  }
0xb: {  	_ =	strace $0x80000047;
	s10 =	sshll.u32 s4, $0x4;
	s9 =	smax.u32 s9, $0x1  }
0xc: {  	s7 =	sadd.s32 s2, s8;
	s8 =	sadd.s32 s5, s10;
	s10 =	simm.s32 $0x14000  }
.LBB2_1:
0xd: {  	s19 =	simm.s32 $0x80  }
0xe: {  	s22 =	sadd.s32 $0x0, s7;
	s20 =	simm.s32 $0x100;
	s21 =	simm.s32 $0x0  }
.LBB2_2:
0xf: {  	[tilespmem:s21], [sflag:$0x1] =	stream.linear.gather [hbm4b:s22+s3], $0x80, $0x38;
	[tilespmem:$0x14100] =	vst v63  }
0x10: {  	s22 =	smov.u32 s19;
	s21 =	smov.u32 s20;
	p0 =	sne.s32 s19, $0x9F80  }
.Ltmp0:
0x11: {  	s19 =	sadd.s32 $0x80, s19;
	(pc) =	sbr.rel @p0 .LBB2_2-.Ltmp0, $2  }
0x12: {  	_ =	sdelay $0x2  }
0x13: {  	s20 =	sadd.s32 $0x100, s20;
	s22 =	sadd.s32 s22, s7  }
0x14: {  	[tilespmem:s21], [sflag:$0x1] =	stream.linear.gather [hbm4b:s22+s3], $0x80, $0x38;
	[tilespmem:$0x14100] =	vst v63  }
0x15: {  	s19 =	simm.s32 $0x0  }
0x16: {  	[tilespmem:s10], [sflag:$0x3] =	stream.linear.gather [hbm4b:s8+s19], $0x80, $0x38;
	[tilespmem:$0x14100] =	vst v63  }
.LBB2_4:
0x17: {  	s21 =	sshll.u32 s19, $0x1  }
0x18: {  	s20 =	sor.u32 s4, s21  }
0x19: {  	s26 =	sshll.u32 s19, $0x8;
	s24 =	sshrl.u32 s20, $0x3  }
0x1a: {  	p0 =	seq.s32 s19, $0x0;
	s22 =	sand.u32 $0x300, s26;
	s23 =	smul.u32 $0x50000, s24  }
0x1b: {  	s26 =	simm.s32 @!p0 $0x6;
	s25 =	sor.u32 $0x80, s22  }
0x1c: {  	_ =	swait.ge @!p0 [sflag:s26], $0xA000;
	s20 =	sor.u32 s25, s23  }
0x1d: {  	[sflag:s26] =	ssyncset.done @!p0 $0x0;
	s20 =	sshrl.u32 s20, $0x3  }
0x1e: {  	s28 =	simm.s32 $0x80;
	[sflag:s26] =	ssyncadd.s32 @!p0 $0xFFFF6000;
	s26 =	sadd.s32 s2, s20  }
0x1f: {  	s29 =	simm.s32 $0x80;
	s30 =	simm.s32 $0x180;
	s31 =	sadd.s32 $0x0, s26  }
.LBB2_5:
0x20: {  	[tilespmem:s28], [sflag:$0x2] =	stream.linear.gather [hbm4b:s31+s3], $0x80, $0x38;
	[tilespmem:$0x14100] =	vst v63  }
0x21: {  	s31 =	smov.u32 s29;
	s28 =	smov.u32 s30;
	p0 =	sne.s32 s29, $0x9F80  }
.Ltmp1:
0x22: {  	s29 =	sadd.s32 $0x80, s29;
	(pc) =	sbr.rel @p0 .LBB2_5-.Ltmp1, $2  }
0x23: {  	_ =	sdelay $0x2  }
0x24: {  	s30 =	sadd.s32 $0x100, s30;
	s31 =	sadd.s32 s31, s26  }
0x25: {  	[tilespmem:s28], [sflag:$0x2] =	stream.linear.gather [hbm4b:s31+s3], $0x80, $0x38;
	[tilespmem:$0x14100] =	vst v63  }
0x26: {  	s24 =	sshll.u32 s24, $0xA  }
0x27: {  	s24 =	sor.u32 s25, s24  }
0x28: {  	s24 =	sshrl.u32 s24, $0x3  }
0x29: {  	s24 =	sadd.s32 s5, s24  }
0x2a: {  	[tilespmem:s11], [sflag:$0x4] =	stream.linear.gather [hbm4b:s24+s3], $0x80, $0x38;
	[tilespmem:$0x14100] =	vst v63  }
0x2b: {  	_ =	swait.ge [sflag:s12], $0xA000  }
0x2c: {  	[sflag:s12] =	ssyncset.done $0x0  }
0x2d: {  	[sflag:s12] =	ssyncadd.s32 $0xFFFF6000  }
0x2e: {  	_ =	swait.ge [sflag:s13], $0x80  }
0x2f: {  	[sflag:s13] =	ssyncset.done $0x0  }
0x30: {  	[sflag:s13] =	ssyncadd.s32 $0xFFFFFF80  }
0x31: {  	s24 =	simm.s32 $0xA070;
	v0 =	vld [tilespmem:$0x14000]  }
0x32: {  	v1 =	vld [tilespmem:s24+$0xFFFFBFE0]  }
0x33: {  	v8 =	vld [tilespmem:s24+$0xFFFFFFF0]  }
0x34: {  	v7 =	vld [tilespmem:s24+$0xFFFFFF90]  }
0x35: {  	v9 =	vld [tilespmem:s24+$0xFFFFFFE0]  }
0x36: {  	v10 =	vld [tilespmem:s24+$0xFFFFBF90]  }
0x37: {  	v5 =	vld [tilespmem:s24+$0xFFFFBFF0]  }
0x38: {  	v12 =	vld [tilespmem:s24+$0xFFFFBFC0]  }
0x39: {  	v2 =	vld [tilespmem:s24+$0xFFFFC000]  }
0x3a: {  	v6 =	vld [tilespmem:s24+$0xFFFFFFC0]  }
0x3b: {  	vm0 =	vgt.f32 v0, $5.000000000e-01;
	v0 =	vld [tilespmem:s24+$0xFFFFBFA0];
	vm1 =	vgt.f32 v1, $5.000000000e-01  }
0x3c: {  	v3 =	vld [tilespmem:s24+$0xFFFFBFB0];
	vm2 =	vgt.f32 v10, $5.000000000e-01;
	vm1 =	vmand vm0, vm1  }
0x3d: {  	v4 =	vld [tilespmem:s24+$0xFFFFBFD0];
	vm3 =	vmand vm0, vm2;
	v11 =	vsel vm1, $0x0, v1  }
0x3e: {  	vm4 =	vgt.f32 v5, $5.000000000e-01;
	vm2 =	vgt.f32 v12, $5.000000000e-01;
	v1 =	vld [tilespmem:s24+$0xFFFFFFA0];
	v7 =	vsel vm3, $0x3F800000, v7;
	[tilespmem:s24+$0xFFFFBFE0] =	vst v11  }
0x3f: {  	vm2 =	vmand vm0, vm2;
	v10 =	vsel vm3, $0x0, v10;
	vm3 =	vmand vm0, vm4;
	[tilespmem:s24+$0xFFFFFF90] =	vst v7;
	v7 =	vld [tilespmem:s24+$0xFFFFFFD0]  }
0x40: {  	v11 =	vsel vm1, $0x3F800000, v9;
	[tilespmem:s24+$0xFFFFBF90] =	vst v10;
	v13 =	vsel vm3, $0x3F800000, v8;
	v9 =	vld [tilespmem:s24+$0x0];
	vm1 =	vgt.f32 v0, $5.000000000e-01  }
0x41: {  	s26 =	simm.s32 $0xA170;
	s25 =	simm.s32 $0x0;
	vm4 =	vgt.f32 v2, $5.000000000e-01;
	v8 =	vsel vm2, $0x0, v12;
	v10 =	vld [tilespmem:s24+$0xFFFFFFB0];
	[tilespmem:s24+$0xFFFFFFF0] =	vst v13;
	vm1 =	vmand vm0, vm1  }
.LBB2_7:
0x42: {  	v12 =	vld [tilespmem:s26+$0xFFFFBFE0];
	s25 =	sadd.s32 $0x8, s25;
	vm5 =	vgt.f32 v3, $5.000000000e-01;
	[tilespmem:s24+$0xFFFFFFE0] =	vst v11;
	v5 =	vsel vm3, $0x0, v5;
	vm3 =	vmand vm0, vm4  }
0x43: {  	v6 =	vsel vm2, $0x3F800000, v6;
	v13 =	vld [tilespmem:s26+$0xFFFFFFF0];
	p0 =	slt.u32 s25, $0xF8;
	vm4 =	vmand vm0, vm5;
	vm2 =	vgt.f32 v4, $5.000000000e-01;
	[tilespmem:s24+$0xFFFFBFF0] =	vst v5  }
0x44: {  	v2 =	vsel vm3, $0x0, v2;
	v11 =	vld [tilespmem:s26+$0xFFFFFF90];
	[tilespmem:s24+$0xFFFFFFC0] =	vst v6;
	vm2 =	vmand vm0, vm2  }
0x45: {  	v3 =	vsel vm4, $0x0, v3;
	v14 =	vld [tilespmem:s26+$0xFFFFFFE0];
	v6 =	vsel vm2, $0x3F800000, v7;
	[tilespmem:s24+$0xFFFFC000] =	vst v2;
	v2 =	vsel vm3, $0x3F800000, v9  }
0x46: {  	v4 =	vsel vm2, $0x0, v4;
	v7 =	vld [tilespmem:s26+$0xFFFFBF90];
	v9 =	vsel vm4, $0x3F800000, v10;
	[tilespmem:s24+$0x0] =	vst v2  }
0x47: {  	v5 =	vld [tilespmem:s26+$0xFFFFBFF0];
	[tilespmem:s24+$0xFFFFBFC0] =	vst v8  }
0x48: {  	v8 =	vld [tilespmem:s26+$0xFFFFBFC0];
	[tilespmem:s24+$0xFFFFFFB0] =	vst v9  }
0x49: {  	v0 =	vsel vm1, $0x0, v0;
	v1 =	vsel vm1, $0x3F800000, v1;
	v2 =	vld [tilespmem:s26+$0xFFFFC000];
	[tilespmem:s24+$0xFFFFFFD0] =	vst v6  }
0x4a: {  	v6 =	vld [tilespmem:s26+$0xFFFFFFC0];
	[tilespmem:s24+$0xFFFFBFA0] =	vst v0  }
0x4b: {  	vm2 =	vgt.f32 v12, $5.000000000e-01;
	vm1 =	vgt.f32 v7, $5.000000000e-01;
	v0 =	vld [tilespmem:s26+$0xFFFFBFA0];
	[tilespmem:s24+$0xFFFFFFA0] =	vst v1  }
0x4c: {  	vm3 =	vmand vm0, vm2;
	vm1 =	vmand vm0, vm1;
	v1 =	vld [tilespmem:s26+$0xFFFFFFA0];
	vm5 =	vgt.f32 v5, $5.000000000e-01;
	[tilespmem:s24+$0xFFFFBFB0] =	vst v3  }
.Ltmp2:
0x4d: {  	v10 =	vsel vm3, $0x0, v12;
	v9 =	vsel vm1, $0x3F800000, v11;
	v3 =	vld [tilespmem:s26+$0xFFFFBFB0];
	vm2 =	vgt.f32 v8, $5.000000000e-01;
	[tilespmem:s24+$0xFFFFBFD0] =	vst v4;
	s24 =	smov.u32 s26;
	(pc) =	sbr.rel @p0 .LBB2_7-.Ltmp2, $4  }
0x4e: {  	v11 =	vsel vm3, $0x3F800000, v14;
	vm2 =	vmand vm0, vm2;
	v4 =	vld [tilespmem:s26+$0xFFFFBFD0];
	[tilespmem:s26+$0xFFFFBFE0] =	vst v10;
	vm4 =	vgt.f32 v2, $5.000000000e-01  }
0x4f: {  	vm3 =	vmand vm0, vm5;
	v10 =	vsel vm1, $0x0, v7;
	[tilespmem:s26+$0xFFFFFF90] =	vst v9;
	v7 =	vld [tilespmem:s26+$0xFFFFFFD0]  }
0x50: {  	v12 =	vsel vm3, $0x3F800000, v13;
	v8 =	vsel vm2, $0x0, v8;
	[tilespmem:s26+$0xFFFFBF90] =	vst v10;
	vm1 =	vgt.f32 v0, $5.000000000e-01;
	v9 =	vld [tilespmem:s26+$0x0]  }
0x51: {  	s26 =	sadd.s32 $0x100, s26;
	vm1 =	vmand vm0, vm1;
	v10 =	vld [tilespmem:s24+$0xFFFFFFB0];
	[tilespmem:s24+$0xFFFFFFF0] =	vst v12  }
0x52: {  	[tilespmem:s24+$0xFFFFFFE0] =	vst v11  }
0x53: {  	v5 =	vsel vm3, $0x0, v5;
	[tilespmem:s24+$0xFFFFBFC0] =	vst v8  }
0x54: {  	v6 =	vsel vm2, $0x3F800000, v6;
	[tilespmem:s24+$0xFFFFBFF0] =	vst v5  }
0x55: {  	v0 =	vsel vm1, $0x0, v0;
	[tilespmem:s24+$0xFFFFFFC0] =	vst v6  }
0x56: {  	vm12 =	vmand vm0, vm4;
	vm13 =	vgt.f32 v3, $5.000000000e-01;
	v1 =	vsel vm1, $0x3F800000, v1;
	[tilespmem:s24+$0xFFFFBFA0] =	vst v0  }
0x57: {  	v2 =	vsel vm12, $0x0, v2;
	vm2 =	vmand vm0, vm13;
	[tilespmem:s24+$0xFFFFFFA0] =	vst v1  }
0x58: {  	vm14 =	vgt.f32 v4, $5.000000000e-01;
	[tilespmem:s24+$0xFFFFC000] =	vst v2;
	v62 =	vsel vm2, $0x0, v3  }
0x59: {  	vm15 =	vmand vm0, vm14;
	v59 =	vsel vm12, $0x3F800000, v9;
	[tilespmem:s24+$0xFFFFBFB0] =	vst v62  }
0x5a: {  	s22 =	sor.u32 s22, s23;
	v61 =	vsel vm15, $0x3F800000, v7;
	[tilespmem:s24+$0x0] =	vst v59  }
0x5b: {  	s22 =	sshrl.u32 s22, $0x3;
	v63 =	vsel vm15, $0x0, v4;
	[tilespmem:s24+$0xFFFFFFD0] =	vst v61  }
0x5c: {  	s23 =	simm.s32 $0x0;
	s22 =	sadd.s32 s6, s22;
	v60 =	vsel vm2, $0x3F800000, v10;
	[tilespmem:s24+$0xFFFFBFD0] =	vst v63  }
0x5d: {  	s25 =	simm.s32 $0x100;
	s26 =	sadd.s32 $0x0, s22;
	[tilespmem:s24+$0xFFFFFFB0] =	vst v60;
	s24 =	simm.s32 $0x80  }
.LBB2_9:
0x5e: {  	[hbm4b:s26+s3] =	stream.linear.scatter [tilespmem:s23], [sflag:$0x5], $0x80, $0x38;
	[tilespmem:$0x14100] =	vst v63  }
0x5f: {  	s26 =	smov.u32 s24;
	s23 =	smov.u32 s25;
	p0 =	sne.s32 s24, $0x9F80  }
.Ltmp3:
0x60: {  	s24 =	sadd.s32 $0x80, s24;
	(pc) =	sbr.rel @p0 .LBB2_9-.Ltmp3, $2  }
0x61: {  	_ =	sdelay $0x2  }
0x62: {  	s25 =	sadd.s32 $0x100, s25;
	s26 =	sadd.s32 s26, s22  }
0x63: {  	p0 =	seq.s32 s19, $0xF  }
.Ltmp4:
0x64: {  	_ = 	snop;
	(pc) =	sbr.rel @p0 .LBB2_14-.Ltmp4, $2  }
0x65: {  	_ =	sdelay $0x2  }
0x66: {  	[hbm4b:s26+s3] =	stream.linear.scatter [tilespmem:s23], [sflag:$0x5], $0x80, $0x38;
	[tilespmem:$0x14100] =	vst v63  }
0x67: {  	s22 =	sadd.s32 $0x2, s21  }
0x68: {  	s21 =	sadd.s32 s4, s22  }
0x69: {  	s21 =	sshrl.u32 s21, $0x3  }
0x6a: {  	s22 =	sshll.u32 s22, $0x7;
	s23 =	smul.u32 $0x50000, s21  }
0x6b: {  	s22 =	sand.u32 $0x300, s22  }
0x6c: {  	s23 =	sor.u32 s22, s23  }
0x6d: {  	_ =	swait.ge [sflag:s16], $0xA000;
	s24 =	simm.s32 $0x0;
	s23 =	sshrl.u32 s23, $0x3  }
0x6e: {  	s25 =	simm.s32 $0x80;
	[sflag:s16] =	ssyncset.done $0x0;
	s23 =	sadd.s32 s2, s23  }
0x6f: {  	s26 =	simm.s32 $0x100;
	[sflag:s16] =	ssyncadd.s32 $0xFFFF6000;
	s28 =	sadd.s32 $0x0, s23  }
.LBB2_12:
0x70: {  	[tilespmem:s24], [sflag:$0x1] =	stream.linear.gather [hbm4b:s28+s3], $0x80, $0x38;
	[tilespmem:$0x14100] =	vst v63  }
0x71: {  	s28 =	smov.u32 s25;
	s24 =	smov.u32 s26;
	p0 =	sne.s32 s25, $0x9F80  }
.Ltmp5:
0x72: {  	s25 =	sadd.s32 $0x80, s25;
	(pc) =	sbr.rel @p0 .LBB2_12-.Ltmp5, $2  }
0x73: {  	_ =	sdelay $0x2  }
0x74: {  	s26 =	sadd.s32 $0x100, s26;
	s28 =	sadd.s32 s28, s23  }
0x75: {  	[tilespmem:s24], [sflag:$0x1] =	stream.linear.gather [hbm4b:s28+s3], $0x80, $0x38;
	[tilespmem:$0x14100] =	vst v63  }
0x76: {  	s21 =	sshll.u32 s21, $0xA  }
0x77: {  	s21 =	sor.u32 s22, s21  }
0x78: {  	s21 =	sshrl.u32 s21, $0x3  }
0x79: {  	s21 =	sadd.s32 s5, s21  }
0x7a: {  	[tilespmem:s10], [sflag:$0x3] =	stream.linear.gather [hbm4b:s21+s3], $0x80, $0x38;
	[tilespmem:$0x14100] =	vst v63  }
.LBB2_14:
0x7b: {  	_ =	swait.ge [sflag:s14], $0xA000  }
0x7c: {  	[sflag:s14] =	ssyncset.done $0x0  }
0x7d: {  	[sflag:s14] =	ssyncadd.s32 $0xFFFF6000  }
0x7e: {  	_ =	swait.ge [sflag:s15], $0x80  }
0x7f: {  	[sflag:s15] =	ssyncset.done $0x0  }
0x80: {  	[sflag:s15] =	ssyncadd.s32 $0xFFFFFF80  }
0x81: {  	s21 =	simm.s32 $0xA0F0;
	v0 =	vld [tilespmem:$0x14080]  }
0x82: {  	v1 =	vld [tilespmem:s21+$0xFFFFBFE0]  }
0x83: {  	v8 =	vld [tilespmem:s21+$0xFFFFFFF0]  }
0x84: {  	v7 =	vld [tilespmem:s21+$0xFFFFFF90]  }
0x85: {  	v9 =	vld [tilespmem:s21+$0xFFFFFFE0]  }
0x86: {  	v10 =	vld [tilespmem:s21+$0xFFFFBF90]  }
0x87: {  	v5 =	vld [tilespmem:s21+$0xFFFFBFF0]  }
0x88: {  	v12 =	vld [tilespmem:s21+$0xFFFFBFC0]  }
0x89: {  	v2 =	vld [tilespmem:s21+$0xFFFFC000]  }
0x8a: {  	v6 =	vld [tilespmem:s21+$0xFFFFFFC0]  }
0x8b: {  	vm0 =	vgt.f32 v0, $5.000000000e-01;
	v0 =	vld [tilespmem:s21+$0xFFFFBFA0];
	vm1 =	vgt.f32 v1, $5.000000000e-01  }
0x8c: {  	v3 =	vld [tilespmem:s21+$0xFFFFBFB0];
	vm2 =	vgt.f32 v10, $5.000000000e-01;
	vm1 =	vmand vm0, vm1  }
0x8d: {  	v4 =	vld [tilespmem:s21+$0xFFFFBFD0];
	vm3 =	vmand vm0, vm2;
	v11 =	vsel vm1, $0x0, v1  }
0x8e: {  	vm4 =	vgt.f32 v5, $5.000000000e-01;
	vm2 =	vgt.f32 v12, $5.000000000e-01;
	v1 =	vld [tilespmem:s21+$0xFFFFFFA0];
	v7 =	vsel vm3, $0x3F800000, v7;
	[tilespmem:s21+$0xFFFFBFE0] =	vst v11  }
0x8f: {  	vm2 =	vmand vm0, vm2;
	v10 =	vsel vm3, $0x0, v10;
	vm3 =	vmand vm0, vm4;
	[tilespmem:s21+$0xFFFFFF90] =	vst v7;
	v7 =	vld [tilespmem:s21+$0xFFFFFFD0]  }
0x90: {  	v11 =	vsel vm1, $0x3F800000, v9;
	[tilespmem:s21+$0xFFFFBF90] =	vst v10;
	v13 =	vsel vm3, $0x3F800000, v8;
	v9 =	vld [tilespmem:s21+$0x0];
	vm1 =	vgt.f32 v0, $5.000000000e-01  }
0x91: {  	s22 =	simm.s32 $0x0;
	s23 =	simm.s32 $0xA1F0;
	vm4 =	vgt.f32 v2, $5.000000000e-01;
	v8 =	vsel vm2, $0x0, v12;
	v10 =	vld [tilespmem:s21+$0xFFFFFFB0];
	[tilespmem:s21+$0xFFFFFFF0] =	vst v13;
	vm1 =	vmand vm0, vm1  }
.LBB2_15:
0x92: {  	v12 =	vld [tilespmem:s23+$0xFFFFBFE0];
	s22 =	sadd.s32 $0x8, s22;
	vm5 =	vgt.f32 v3, $5.000000000e-01;
	[tilespmem:s21+$0xFFFFFFE0] =	vst v11;
	v5 =	vsel vm3, $0x0, v5;
	vm3 =	vmand vm0, vm4  }
0x93: {  	v6 =	vsel vm2, $0x3F800000, v6;
	v13 =	vld [tilespmem:s23+$0xFFFFFFF0];
	p0 =	slt.u32 s22, $0xF8;
	vm4 =	vmand vm0, vm5;
	vm2 =	vgt.f32 v4, $5.000000000e-01;
	[tilespmem:s21+$0xFFFFBFF0] =	vst v5  }
0x94: {  	v2 =	vsel vm3, $0x0, v2;
	v11 =	vld [tilespmem:s23+$0xFFFFFF90];
	[tilespmem:s21+$0xFFFFFFC0] =	vst v6;
	vm2 =	vmand vm0, vm2  }
0x95: {  	v3 =	vsel vm4, $0x0, v3;
	v14 =	vld [tilespmem:s23+$0xFFFFFFE0];
	v6 =	vsel vm2, $0x3F800000, v7;
	[tilespmem:s21+$0xFFFFC000] =	vst v2;
	v2 =	vsel vm3, $0x3F800000, v9  }
0x96: {  	v4 =	vsel vm2, $0x0, v4;
	v7 =	vld [tilespmem:s23+$0xFFFFBF90];
	v9 =	vsel vm4, $0x3F800000, v10;
	[tilespmem:s21+$0x0] =	vst v2  }
0x97: {  	v5 =	vld [tilespmem:s23+$0xFFFFBFF0];
	[tilespmem:s21+$0xFFFFBFC0] =	vst v8  }
0x98: {  	v8 =	vld [tilespmem:s23+$0xFFFFBFC0];
	[tilespmem:s21+$0xFFFFFFB0] =	vst v9  }
0x99: {  	v0 =	vsel vm1, $0x0, v0;
	v1 =	vsel vm1, $0x3F800000, v1;
	v2 =	vld [tilespmem:s23+$0xFFFFC000];
	[tilespmem:s21+$0xFFFFFFD0] =	vst v6  }
0x9a: {  	v6 =	vld [tilespmem:s23+$0xFFFFFFC0];
	[tilespmem:s21+$0xFFFFBFA0] =	vst v0  }
0x9b: {  	vm2 =	vgt.f32 v12, $5.000000000e-01;
	vm1 =	vgt.f32 v7, $5.000000000e-01;
	v0 =	vld [tilespmem:s23+$0xFFFFBFA0];
	[tilespmem:s21+$0xFFFFFFA0] =	vst v1  }
0x9c: {  	vm3 =	vmand vm0, vm2;
	vm1 =	vmand vm0, vm1;
	v1 =	vld [tilespmem:s23+$0xFFFFFFA0];
	vm5 =	vgt.f32 v5, $5.000000000e-01;
	[tilespmem:s21+$0xFFFFBFB0] =	vst v3  }
.Ltmp6:
0x9d: {  	v10 =	vsel vm3, $0x0, v12;
	v9 =	vsel vm1, $0x3F800000, v11;
	v3 =	vld [tilespmem:s23+$0xFFFFBFB0];
	vm2 =	vgt.f32 v8, $5.000000000e-01;
	[tilespmem:s21+$0xFFFFBFD0] =	vst v4;
	s21 =	smov.u32 s23;
	(pc) =	sbr.rel @p0 .LBB2_15-.Ltmp6, $4  }
0x9e: {  	v11 =	vsel vm3, $0x3F800000, v14;
	vm2 =	vmand vm0, vm2;
	v4 =	vld [tilespmem:s23+$0xFFFFBFD0];
	[tilespmem:s23+$0xFFFFBFE0] =	vst v10;
	vm4 =	vgt.f32 v2, $5.000000000e-01  }
0x9f: {  	vm3 =	vmand vm0, vm5;
	v10 =	vsel vm1, $0x0, v7;
	[tilespmem:s23+$0xFFFFFF90] =	vst v9;
	v7 =	vld [tilespmem:s23+$0xFFFFFFD0]  }
0xa0: {  	v12 =	vsel vm3, $0x3F800000, v13;
	v8 =	vsel vm2, $0x0, v8;
	[tilespmem:s23+$0xFFFFBF90] =	vst v10;
	vm1 =	vgt.f32 v0, $5.000000000e-01;
	v9 =	vld [tilespmem:s23+$0x0]  }
0xa1: {  	s23 =	sadd.s32 $0x100, s23;
	vm1 =	vmand vm0, vm1;
	v10 =	vld [tilespmem:s21+$0xFFFFFFB0];
	[tilespmem:s21+$0xFFFFFFF0] =	vst v12  }
0xa2: {  	[tilespmem:s21+$0xFFFFFFE0] =	vst v11  }
0xa3: {  	v5 =	vsel vm3, $0x0, v5;
	[tilespmem:s21+$0xFFFFBFC0] =	vst v8  }
0xa4: {  	v6 =	vsel vm2, $0x3F800000, v6;
	[tilespmem:s21+$0xFFFFBFF0] =	vst v5  }
0xa5: {  	v0 =	vsel vm1, $0x0, v0;
	[tilespmem:s21+$0xFFFFFFC0] =	vst v6  }
0xa6: {  	vm12 =	vmand vm0, vm4;
	vm13 =	vgt.f32 v3, $5.000000000e-01;
	v1 =	vsel vm1, $0x3F800000, v1;
	[tilespmem:s21+$0xFFFFBFA0] =	vst v0  }
0xa7: {  	v2 =	vsel vm12, $0x0, v2;
	vm2 =	vmand vm0, vm13;
	[tilespmem:s21+$0xFFFFFFA0] =	vst v1  }
0xa8: {  	vm14 =	vgt.f32 v4, $5.000000000e-01;
	[tilespmem:s21+$0xFFFFC000] =	vst v2;
	v62 =	vsel vm2, $0x0, v3  }
0xa9: {  	vm15 =	vmand vm0, vm14;
	v59 =	vsel vm12, $0x3F800000, v9;
	[tilespmem:s21+$0xFFFFBFB0] =	vst v62  }
0xaa: {  	v61 =	vsel vm15, $0x3F800000, v7;
	[tilespmem:s21+$0x0] =	vst v59  }
0xab: {  	v63 =	vsel vm15, $0x0, v4;
	[tilespmem:s21+$0xFFFFFFD0] =	vst v61  }
0xac: {  	s20 =	sadd.s32 s6, s20;
	s22 =	simm.s32 $0x80;
	v60 =	vsel vm2, $0x3F800000, v10;
	[tilespmem:s21+$0xFFFFBFD0] =	vst v63  }
0xad: {  	s23 =	simm.s32 $0x180;
	s24 =	sadd.s32 $0x0, s20;
	[tilespmem:s21+$0xFFFFFFB0] =	vst v60;
	s21 =	simm.s32 $0x80  }
.LBB2_17:
0xae: {  	[hbm4b:s24+s3] =	stream.linear.scatter [tilespmem:s22], [sflag:$0x6], $0x80, $0x38;
	[tilespmem:$0x14100] =	vst v63  }
0xaf: {  	s24 =	smov.u32 s21;
	s22 =	smov.u32 s23;
	p0 =	sne.s32 s21, $0x9F80  }
.Ltmp7:
0xb0: {  	s21 =	sadd.s32 $0x80, s21;
	(pc) =	sbr.rel @p0 .LBB2_17-.Ltmp7, $2  }
0xb1: {  	_ =	sdelay $0x2  }
0xb2: {  	s23 =	sadd.s32 $0x100, s23;
	s24 =	sadd.s32 s24, s20  }
0xb3: {  	s19 =	sadd.s32 $0x1, s19  }
0xb4: {  	p0 =	sne.s32 s19, $0x10  }
.Ltmp8:
0xb5: {  	_ = 	snop;
	(pc) =	sbr.rel @p0 .LBB2_4-.Ltmp8, $2  }
0xb6: {  	_ =	sdelay $0x2  }
0xb7: {  	[hbm4b:s24+s3] =	stream.linear.scatter [tilespmem:s22], [sflag:$0x6], $0x80, $0x38;
	[tilespmem:$0x14100] =	vst v63  }
0xb8: {  	s18 =	sadd.s32 $0x1, s18  }
0xb9: {  	_ =	swait.ge [sflag:s16], $0xA000;
	p0 =	sne.s32 s18, s9  }
.Ltmp9:
0xba: {  	[sflag:s16] =	ssyncset.done $0x0;
	(pc) =	sbr.rel @p0 .LBB2_1-.Ltmp9, $4  }
0xbb: {  	[sflag:s16] =	ssyncadd.s32 $0xFFFF6000  }
0xbc: {  	_ =	swait.ge [sflag:s17], $0xA000  }
0xbd: {  	[sflag:s17] =	ssyncset.done $0x0  }
0xbe: {  	[sflag:s17] =	ssyncadd.s32 $0xFFFF6000  }
0xbf: {  	_ =	sfence.sel $0x180000  }
0xc0: {  	[bflag:$0x0] =	sbarrier.arrive $0xFFFF  }
0xc1: {  	p0 =	sne.s32 s1, $0x0;
	_ =	strace $0x90000047  }
0xc2: {  	s0 =	sadd.s32 @!p0 $0x100000, s0;
	[bflag:$0x2] =	sbarrier.arrive $0xFFFF  }
0xc3: {  	[sflag:s0] =	ssyncadd.tile.s32 @!p0 $0x1;
	_ =	shalt  }
.Lfunc_end2:
_tile_overlayer_lowered:
.L_overlay_start_2:
0xc4: {  	(tag) =	ssettag $0x2  }
0xc5: {  	s0 =	rddreg [dreg:$0x0];
	s2 =	stileid.u32  }
0xc6: {  	s1 =	rddreg [dreg:$0x1];
	p0 =	sne.s32 s2, $0x0  }
0xc7: {  	s3 =	rddreg [dreg:$0x2];
	[bflag:$0x3] =	sbarrier.arrive $0xFFFF;
	s2 =	simm.s32 @!p0 $0x1C07  }
0xc8: {  	[timem:s3], [sflag:s2] =	dma.local @!p0 [hbm:s0], s1  }
0xc9: {  	s0 =	simm.s32 @!p0 $0x7  }
0xca: {  	_ =	swait.ge @!p0 [sflag:s0], s1  }
0xcb: {  	s1 =	ssub.s32 @!p0 $0x0, s1;
	[sflag:s0] =	ssyncset.done @!p0 $0x0  }
0xcc: {  	[sflag:s0] =	ssyncadd.s32 @!p0 s1  }
0xcd: {  	[bflag:$0x3] =	sbarrier.arrive $0xFFFF  }
0xce: {  	_ =	shalt  }

</sc_bundles>
